<compile_context>
chip_gen: v7x
topology: tpu7x:2x2x1
jax: 0.10.2.dev20260603
libtpu: 0.0.44.dev20260713+nightly
codegen_flags: <defaults>
</compile_context>

<pallas_src>
import functools

import jax
import jax.numpy as jnp
from jax import lax
from jax.experimental import pallas as pl
from jax.experimental.pallas import tpu as pltpu
from jax.experimental.pallas import tpu_sc as plsc

HIDDEN = 128
CHUNK = 128
NBUF = 4
LOOK = 2
SB = 2

_info = plsc.get_sparse_core_info()
_NC, _NS = _info.num_cores, _info.num_subcores
NW = _NC * _NS


def _make_gather(n_rows: int):
    n_per_w = n_rows // NW
    n_chunks = n_per_w // CHUNK
    n_blocks = n_chunks // NBUF
    assert n_chunks % NBUF == 0 and n_blocks >= 3

    mesh = plsc.VectorSubcoreMesh(core_axis_name="c", subcore_axis_name="s")

    @functools.partial(
        pl.kernel,
        mesh=mesh,
        out_type=jax.ShapeDtypeStruct((n_rows, HIDDEN), jnp.float32),
        scratch_types=[
            pltpu.VMEM((n_chunks, CHUNK), jnp.int32),
            pltpu.VMEM((NBUF, CHUNK, HIDDEN), jnp.float32),
            pltpu.VMEM_SHARED((_NS, SB, CHUNK, HIDDEN), jnp.float32),
        ]
        + [pltpu.SemaphoreType.DMA] * (2 * NBUF + SB),
    )
    def gather_kernel(idx_hbm, table_hbm, out_hbm, idx_v, rows_v, sp_v, *sems):
        gs, cs, ds = sems[:NBUF], sems[NBUF : 2 * NBUF], sems[2 * NBUF :]
        cid = lax.axis_index("c")
        sid = lax.axis_index("s")
        wid = sid * _NC + cid
        pltpu.sync_copy(idx_hbm.at[pl.ds(wid * n_chunks, n_chunks)], idx_v)
        row_base = wid * n_per_w

        def g_start(k, b):
            pltpu.async_copy(table_hbm.at[idx_v.at[k]], rows_v.at[b], gs[b])

        def g_wait(k, b):
            pltpu.make_async_copy(
                table_hbm.at[idx_v.at[k]], rows_v.at[b], gs[b]
            ).wait()

        def c_start(b):
            pltpu.async_copy(rows_v.at[b], sp_v.at[sid, b % SB], cs[b])

        def c_wait(b):
            pltpu.make_async_copy(rows_v.at[b], sp_v.at[sid, b % SB], cs[b]).wait()

        def d_start(k, b):
            pltpu.async_copy(
                sp_v.at[sid, b % SB],
                out_hbm.at[pl.ds(row_base + k * CHUNK, CHUNK)],
                ds[b % SB],
            )

        def d_wait(k, b):
            pltpu.make_async_copy(
                sp_v.at[sid, b % SB],
                out_hbm.at[pl.ds(row_base + k * CHUNK, CHUNK)],
                ds[b % SB],
            ).wait()

        def visit(k, b, do_dwait, do_gstart):
            g_wait(k, b)
            if do_dwait:
                d_wait(k - SB, b)
            c_start(b)
            c_wait(b)
            if do_gstart:
                g_start(k + LOOK, (b + LOOK) % NBUF)
            d_start(k, b)

        for k in range(LOOK):
            g_start(k, k)
        for b in range(NBUF):
            visit(b, b, do_dwait=(b >= SB), do_gstart=True)

        def block(jj, carry):
            for b in range(NBUF):
                visit(NBUF * jj + b, b, do_dwait=True, do_gstart=True)
            return carry

        lax.fori_loop(1, n_blocks - 1, block, 0, unroll=False)

        kl = n_chunks - NBUF
        for b in range(NBUF):
            visit(kl + b, b, do_dwait=True, do_gstart=(kl + b + LOOK < n_chunks))
        for b in range(NBUF - SB, NBUF):
            d_wait(kl + b, b)

    return gather_kernel


def kernel(input_ids, weight):
    b, s = input_ids.shape
    n_rows = b * s
    idx = input_ids.reshape(n_rows // CHUNK, CHUNK).astype(jnp.int32)
    out = _make_gather(n_rows)(idx, weight)
    return out.reshape(b, s, HIDDEN)

# --- scband reference (transcript-rebuilt; emitter-appended) ---
"""Pipeline reference for scband-token-embedding-46677704573310 (READ-ONLY COPY).

The authoritative reference and input builder live on the scoring server;
editing this copy changes nothing except your own understanding.
"""

import jax, jax.numpy as jnp
import numpy as np

VOCAB_SIZE = 100000
HIDDEN_SIZE = 128
PAD_TOKEN_ID = 0
INITIALIZER_RANGE = 0.02
BATCH = 4096
SEQ_LEN = 200


def setup_inputs(seed: int = 0) -> dict:
    key = jax.random.key(seed)
    k1, k2 = jax.random.split(key)
    input_ids = jax.random.randint(k1, (BATCH, SEQ_LEN), 0, VOCAB_SIZE)
    weight = jax.random.normal(k2, (VOCAB_SIZE, HIDDEN_SIZE), dtype=jnp.float32) * INITIALIZER_RANGE
    weight = weight.at[PAD_TOKEN_ID].set(0.0)
    return {"input_ids": input_ids, "weight": weight}


def reference(input_ids, weight):
    # F.embedding(input_ids, weight, padding_idx=pad) forward is a plain gather;
    # the pad row is already zeroed at init, and padding_idx only affects grads.
    embeddings = jnp.take(weight, input_ids, axis=0)
    return embeddings

if __name__ == "__main__":
    import jax
    _d = setup_inputs()
    print(jax.jit(kernel)(*tuple(_d.values())))

</pallas_src>

<mosaic_0001>
#map = affine_map<(d0, d1) -> (0, 0)>
module attributes {stable_mosaic.version = 14 : i64} {
  func.func @gather_kernel(%arg0: i32, %arg1: i32, %arg2: memref<6400x128xi32, #tpu.memory_space<hbm>>, %arg3: memref<100000x128xf32, #tpu.memory_space<hbm>>, %arg4: memref<819200x128xf32, #tpu.memory_space<hbm>>, %arg5: memref<200x128xi32, #tpu.memory_space<vmem>>, %arg6: memref<4x128x128xf32, #tpu.memory_space<vmem>>, %arg7: memref<16x2x128x128xf32, #tpu.memory_space<vmem_shared>>, %arg8: memref<!tpu.dma_semaphore, #tpu.memory_space<semaphore_mem>>, %arg9: memref<!tpu.dma_semaphore, #tpu.memory_space<semaphore_mem>>, %arg10: memref<!tpu.dma_semaphore, #tpu.memory_space<semaphore_mem>>, %arg11: memref<!tpu.dma_semaphore, #tpu.memory_space<semaphore_mem>>, %arg12: memref<!tpu.dma_semaphore, #tpu.memory_space<semaphore_mem>>, %arg13: memref<!tpu.dma_semaphore, #tpu.memory_space<semaphore_mem>>, %arg14: memref<!tpu.dma_semaphore, #tpu.memory_space<semaphore_mem>>, %arg15: memref<!tpu.dma_semaphore, #tpu.memory_space<semaphore_mem>>, %arg16: memref<!tpu.dma_semaphore, #tpu.memory_space<semaphore_mem>>, %arg17: memref<!tpu.dma_semaphore, #tpu.memory_space<semaphore_mem>>) attributes {dimension_semantics = [#tpu.dimension_semantics<core_parallel>, #tpu.dimension_semantics<subcore_parallel>], iteration_bounds = array<i64: 2, 16>, scalar_prefetch = 0 : i64, scratch_operands = 13 : i64, tpu.core_type = #tpu.core_type<sc_vector_subcore>, window_params = [{transform_indices = #map}, {transform_indices = #map}, {transform_indices = #map}]} {
    %mul3A = arith.constant 2 : i32
    %mul3A_0 = arith.muli %arg1, %mul3A : i32
    %add3A = arith.addi %mul3A_0, %arg0 : i32
    %mul3A_1 = arith.constant 200 : i32
    %mul3A_2 = arith.muli %add3A, %mul3A_1 : i32
    "tpu.region"() ({
      %run_scoped3A = tpu.sem_alloc : memref<!tpu.dma_semaphore, #tpu.memory_space<semaphore_mem>>
      %dma_start3A_632 = arith.constant 0 : i32
      %dma_start3A_633 = tpu.memref_slice %arg2[%mul3A_2, %dma_start3A_632] : memref<6400x128xi32, #tpu.memory_space<hbm>> -> memref<200x128xi32, #tpu.memory_space<hbm>>
      %dma_start3A_634 = arith.constant 0 : i32
      %dma_start3A_635 = tpu.memref_slice %arg2[%mul3A_2, %dma_start3A_634] : memref<6400x128xi32, #tpu.memory_space<hbm>> -> memref<200x128xi32, #tpu.memory_space<hbm>>
      tpu.enqueue_dma source(%dma_start3A_635 : memref<200x128xi32, #tpu.memory_space<hbm>>) target(%arg5 : memref<200x128xi32, #tpu.memory_space<vmem>>) target_semaphore(%run_scoped3A : memref<!tpu.dma_semaphore, #tpu.memory_space<semaphore_mem>>)
      %dma_wait3A_636 = arith.constant 0 : i32
      %dma_wait3A_637 = tpu.memref_slice %arg2[%mul3A_2, %dma_wait3A_636] : memref<6400x128xi32, #tpu.memory_space<hbm>> -> memref<200x128xi32, #tpu.memory_space<hbm>>
      %dma_wait3A_638 = arith.constant 0 : i32
      %dma_wait3A_639 = tpu.memref_slice %arg2[%mul3A_2, %dma_wait3A_638] : memref<6400x128xi32, #tpu.memory_space<hbm>> -> memref<200x128xi32, #tpu.memory_space<hbm>>
      tpu.wait_dma2 semaphore(%run_scoped3A : memref<!tpu.dma_semaphore, #tpu.memory_space<semaphore_mem>>) src(%dma_wait3A_639 : memref<200x128xi32, #tpu.memory_space<hbm>>) dst(%arg5 : memref<200x128xi32, #tpu.memory_space<vmem>>)
      tpu.yield
    }) : () -> ()
    %mul3A_3 = arith.constant 25600 : i32
    %mul3A_4 = arith.muli %add3A, %mul3A_3 : i32
    %dma_start3A = arith.constant 0 : i32
    %dma_start3A_5 = arith.constant 0 : i32
    %dma_start3A_6 = arith.constant 0 : i32
    %dma_start3A_7 = arith.constant 0 : i32
    %dma_start3A_8 = tpu.memref_slice %arg6[%dma_start3A_5, %dma_start3A_6, %dma_start3A_7] : memref<4x128x128xf32, #tpu.memory_space<vmem>> -> memref<1x128x128xf32, #tpu.memory_space<vmem>>
    %dma_start3A_9 = tpu.memref_squeeze %dma_start3A_8 : memref<1x128x128xf32, #tpu.memory_space<vmem>> -> memref<128x128xf32, #tpu.memory_space<vmem>>
    %dma_start3A_10 = arith.constant 0 : i32
    %dma_start3A_11 = tpu.memref_slice %arg5[%dma_start3A, %dma_start3A_10] : memref<200x128xi32, #tpu.memory_space<vmem>> -> memref<1x128xi32, #tpu.memory_space<vmem>>
    %dma_start3A_12 = tpu.memref_squeeze %dma_start3A_11 : memref<1x128xi32, #tpu.memory_space<vmem>> -> memref<128xi32, #tpu.memory_space<vmem>>
    %dma_start3A_13 = arith.constant 0 : i32
    %dma_start3A_14 = arith.constant 0 : i32
    %dma_start3A_15 = tpu.memref_slice %arg3[%dma_start3A_13, %dma_start3A_14] : memref<100000x128xf32, #tpu.memory_space<hbm>> -> memref<100000x128xf32, #tpu.memory_space<hbm>>
    tpu.enqueue_indirect_dma source(%dma_start3A_15 : memref<100000x128xf32, #tpu.memory_space<hbm>>) target(%dma_start3A_9 : memref<128x128xf32, #tpu.memory_space<vmem>>) offsets(%dma_start3A_12 : memref<128xi32, #tpu.memory_space<vmem>>) semaphore(%arg8 : memref<!tpu.dma_semaphore, #tpu.memory_space<semaphore_mem>>)
    %dma_start3A_16 = arith.constant 1 : i32
    %dma_start3A_17 = arith.constant 1 : i32
    %dma_start3A_18 = arith.constant 0 : i32
    %dma_start3A_19 = arith.constant 0 : i32
    %dma_start3A_20 = tpu.memref_slice %arg6[%dma_start3A_17, %dma_start3A_18, %dma_start3A_19] : memref<4x128x128xf32, #tpu.memory_space<vmem>> -> memref<1x128x128xf32, #tpu.memory_space<vmem>>
    %dma_start3A_21 = tpu.memref_squeeze %dma_start3A_20 : memref<1x128x128xf32, #tpu.memory_space<vmem>> -> memref<128x128xf32, #tpu.memory_space<vmem>>
    %dma_start3A_22 = arith.constant 0 : i32
    %dma_start3A_23 = tpu.memref_slice %arg5[%dma_start3A_16, %dma_start3A_22] : memref<200x128xi32, #tpu.memory_space<vmem>> -> memref<1x128xi32, #tpu.memory_space<vmem>>
    %dma_start3A_24 = tpu.memref_squeeze %dma_start3A_23 : memref<1x128xi32, #tpu.memory_space<vmem>> -> memref<128xi32, #tpu.memory_space<vmem>>
    %dma_start3A_25 = arith.constant 0 : i32
    %dma_start3A_26 = arith.constant 0 : i32
    %dma_start3A_27 = tpu.memref_slice %arg3[%dma_start3A_25, %dma_start3A_26] : memref<100000x128xf32, #tpu.memory_space<hbm>> -> memref<100000x128xf32, #tpu.memory_space<hbm>>
    tpu.enqueue_indirect_dma source(%dma_start3A_27 : memref<100000x128xf32, #tpu.memory_space<hbm>>) target(%dma_start3A_21 : memref<128x128xf32, #tpu.memory_space<vmem>>) offsets(%dma_start3A_24 : memref<128xi32, #tpu.memory_space<vmem>>) semaphore(%arg9 : memref<!tpu.dma_semaphore, #tpu.memory_space<semaphore_mem>>)
    %dma_wait3A = arith.constant 0 : i32
    %dma_wait3A_28 = arith.constant 0 : i32
    %dma_wait3A_29 = arith.constant 0 : i32
    %dma_wait3A_30 = arith.constant 0 : i32
    %dma_wait3A_31 = tpu.memref_slice %arg6[%dma_wait3A_28, %dma_wait3A_29, %dma_wait3A_30] : memref<4x128x128xf32, #tpu.memory_space<vmem>> -> memref<1x128x128xf32, #tpu.memory_space<vmem>>
    %dma_wait3A_32 = tpu.memref_squeeze %dma_wait3A_31 : memref<1x128x128xf32, #tpu.memory_space<vmem>> -> memref<128x128xf32, #tpu.memory_space<vmem>>
    %dma_wait3A_33 = arith.constant 0 : i32
    %dma_wait3A_34 = tpu.memref_slice %arg5[%dma_wait3A, %dma_wait3A_33] : memref<200x128xi32, #tpu.memory_space<vmem>> -> memref<1x128xi32, #tpu.memory_space<vmem>>
    %dma_wait3A_35 = tpu.memref_squeeze %dma_wait3A_34 : memref<1x128xi32, #tpu.memory_space<vmem>> -> memref<128xi32, #tpu.memory_space<vmem>>
    %dma_wait3A_36 = arith.constant 0 : i32
    %dma_wait3A_37 = arith.constant 0 : i32
    %dma_wait3A_38 = tpu.memref_slice %arg3[%dma_wait3A_36, %dma_wait3A_37] : memref<100000x128xf32, #tpu.memory_space<hbm>> -> memref<100000x128xf32, #tpu.memory_space<hbm>>
    tpu.wait_indirect_dma semaphore(%arg8 : memref<!tpu.dma_semaphore, #tpu.memory_space<semaphore_mem>>) src(%dma_wait3A_38 : memref<100000x128xf32, #tpu.memory_space<hbm>>) dst(%dma_wait3A_32 : memref<128x128xf32, #tpu.memory_space<vmem>>)
    %dma_start3A_39 = arith.constant 0 : i32
    %dma_start3A_40 = arith.constant 0 : i32
    %dma_start3A_41 = arith.constant 0 : i32
    %dma_start3A_42 = arith.constant 0 : i32
    %dma_start3A_43 = tpu.memref_slice %arg6[%dma_start3A_39, %dma_start3A_41, %dma_start3A_42] : memref<4x128x128xf32, #tpu.memory_space<vmem>> -> memref<1x128x128xf32, #tpu.memory_space<vmem>>
    %dma_start3A_44 = tpu.memref_squeeze %dma_start3A_43 : memref<1x128x128xf32, #tpu.memory_space<vmem>> -> memref<128x128xf32, #tpu.memory_space<vmem>>
    %dma_start3A_45 = arith.constant 0 : i32
    %dma_start3A_46 = arith.constant 0 : i32
    %dma_start3A_47 = tpu.memref_slice %arg7[%arg1, %dma_start3A_40, %dma_start3A_45, %dma_start3A_46] : memref<16x2x128x128xf32, #tpu.memory_space<vmem_shared>> -> memref<1x1x128x128xf32, #tpu.memory_space<vmem_shared>>
    %dma_start3A_48 = tpu.memref_squeeze %dma_start3A_47 : memref<1x1x128x128xf32, #tpu.memory_space<vmem_shared>> -> memref<128x128xf32, #tpu.memory_space<vmem_shared>>
    %dma_start3A_49 = arith.constant 0 : i32
    %dma_start3A_50 = arith.constant 0 : i32
    %dma_start3A_51 = tpu.memref_slice %arg7[%arg1, %dma_start3A_40, %dma_start3A_49, %dma_start3A_50] : memref<16x2x128x128xf32, #tpu.memory_space<vmem_shared>> -> memref<1x1x128x128xf32, #tpu.memory_space<vmem_shared>>
    %dma_start3A_52 = tpu.memref_squeeze %dma_start3A_51 : memref<1x1x128x128xf32, #tpu.memory_space<vmem_shared>> -> memref<128x128xf32, #tpu.memory_space<vmem_shared>>
    %dma_start3A_53 = arith.constant 0 : i32
    %dma_start3A_54 = arith.constant 0 : i32
    %dma_start3A_55 = tpu.memref_slice %arg6[%dma_start3A_39, %dma_start3A_53, %dma_start3A_54] : memref<4x128x128xf32, #tpu.memory_space<vmem>> -> memref<1x128x128xf32, #tpu.memory_space<vmem>>
    %dma_start3A_56 = tpu.memref_squeeze %dma_start3A_55 : memref<1x128x128xf32, #tpu.memory_space<vmem>> -> memref<128x128xf32, #tpu.memory_space<vmem>>
    tpu.enqueue_dma source(%dma_start3A_56 : memref<128x128xf32, #tpu.memory_space<vmem>>) target(%dma_start3A_52 : memref<128x128xf32, #tpu.memory_space<vmem_shared>>) target_semaphore(%arg12 : memref<!tpu.dma_semaphore, #tpu.memory_space<semaphore_mem>>)
    %dma_wait3A_57 = arith.constant 0 : i32
    %dma_wait3A_58 = arith.constant 0 : i32
    %dma_wait3A_59 = arith.constant 0 : i32
    %dma_wait3A_60 = arith.constant 0 : i32
    %dma_wait3A_61 = tpu.memref_slice %arg6[%dma_wait3A_57, %dma_wait3A_59, %dma_wait3A_60] : memref<4x128x128xf32, #tpu.memory_space<vmem>> -> memref<1x128x128xf32, #tpu.memory_space<vmem>>
    %dma_wait3A_62 = tpu.memref_squeeze %dma_wait3A_61 : memref<1x128x128xf32, #tpu.memory_space<vmem>> -> memref<128x128xf32, #tpu.memory_space<vmem>>
    %dma_wait3A_63 = arith.constant 0 : i32
    %dma_wait3A_64 = arith.constant 0 : i32
    %dma_wait3A_65 = tpu.memref_slice %arg7[%arg1, %dma_wait3A_58, %dma_wait3A_63, %dma_wait3A_64] : memref<16x2x128x128xf32, #tpu.memory_space<vmem_shared>> -> memref<1x1x128x128xf32, #tpu.memory_space<vmem_shared>>
    %dma_wait3A_66 = tpu.memref_squeeze %dma_wait3A_65 : memref<1x1x128x128xf32, #tpu.memory_space<vmem_shared>> -> memref<128x128xf32, #tpu.memory_space<vmem_shared>>
    %dma_wait3A_67 = arith.constant 0 : i32
    %dma_wait3A_68 = arith.constant 0 : i32
    %dma_wait3A_69 = tpu.memref_slice %arg7[%arg1, %dma_wait3A_58, %dma_wait3A_67, %dma_wait3A_68] : memref<16x2x128x128xf32, #tpu.memory_space<vmem_shared>> -> memref<1x1x128x128xf32, #tpu.memory_space<vmem_shared>>
    %dma_wait3A_70 = tpu.memref_squeeze %dma_wait3A_69 : memref<1x1x128x128xf32, #tpu.memory_space<vmem_shared>> -> memref<128x128xf32, #tpu.memory_space<vmem_shared>>
    %dma_wait3A_71 = arith.constant 0 : i32
    %dma_wait3A_72 = arith.constant 0 : i32
    %dma_wait3A_73 = tpu.memref_slice %arg6[%dma_wait3A_57, %dma_wait3A_71, %dma_wait3A_72] : memref<4x128x128xf32, #tpu.memory_space<vmem>> -> memref<1x128x128xf32, #tpu.memory_space<vmem>>
    %dma_wait3A_74 = tpu.memref_squeeze %dma_wait3A_73 : memref<1x128x128xf32, #tpu.memory_space<vmem>> -> memref<128x128xf32, #tpu.memory_space<vmem>>
    tpu.wait_dma2 semaphore(%arg12 : memref<!tpu.dma_semaphore, #tpu.memory_space<semaphore_mem>>) src(%dma_wait3A_74 : memref<128x128xf32, #tpu.memory_space<vmem>>) dst(%dma_wait3A_70 : memref<128x128xf32, #tpu.memory_space<vmem_shared>>)
    %dma_start3A_75 = arith.constant 2 : i32
    %dma_start3A_76 = arith.constant 2 : i32
    %dma_start3A_77 = arith.constant 0 : i32
    %dma_start3A_78 = arith.constant 0 : i32
    %dma_start3A_79 = tpu.memref_slice %arg6[%dma_start3A_76, %dma_start3A_77, %dma_start3A_78] : memref<4x128x128xf32, #tpu.memory_space<vmem>> -> memref<1x128x128xf32, #tpu.memory_space<vmem>>
    %dma_start3A_80 = tpu.memref_squeeze %dma_start3A_79 : memref<1x128x128xf32, #tpu.memory_space<vmem>> -> memref<128x128xf32, #tpu.memory_space<vmem>>
    %dma_start3A_81 = arith.constant 0 : i32
    %dma_start3A_82 = tpu.memref_slice %arg5[%dma_start3A_75, %dma_start3A_81] : memref<200x128xi32, #tpu.memory_space<vmem>> -> memref<1x128xi32, #tpu.memory_space<vmem>>
    %dma_start3A_83 = tpu.memref_squeeze %dma_start3A_82 : memref<1x128xi32, #tpu.memory_space<vmem>> -> memref<128xi32, #tpu.memory_space<vmem>>
    %dma_start3A_84 = arith.constant 0 : i32
    %dma_start3A_85 = arith.constant 0 : i32
    %dma_start3A_86 = tpu.memref_slice %arg3[%dma_start3A_84, %dma_start3A_85] : memref<100000x128xf32, #tpu.memory_space<hbm>> -> memref<100000x128xf32, #tpu.memory_space<hbm>>
    tpu.enqueue_indirect_dma source(%dma_start3A_86 : memref<100000x128xf32, #tpu.memory_space<hbm>>) target(%dma_start3A_80 : memref<128x128xf32, #tpu.memory_space<vmem>>) offsets(%dma_start3A_83 : memref<128xi32, #tpu.memory_space<vmem>>) semaphore(%arg10 : memref<!tpu.dma_semaphore, #tpu.memory_space<semaphore_mem>>)
    %add3A_87 = arith.constant 0 : i32
    %add3A_88 = arith.addi %mul3A_4, %add3A_87 : i32
    %dma_start3A_89 = arith.constant 0 : i32
    %dma_start3A_90 = arith.constant 0 : i32
    %dma_start3A_91 = tpu.memref_slice %arg4[%add3A_88, %dma_start3A_90] : memref<819200x128xf32, #tpu.memory_space<hbm>> -> memref<128x128xf32, #tpu.memory_space<hbm>>
    %dma_start3A_92 = arith.constant 0 : i32
    %dma_start3A_93 = arith.constant 0 : i32
    %dma_start3A_94 = tpu.memref_slice %arg7[%arg1, %dma_start3A_89, %dma_start3A_92, %dma_start3A_93] : memref<16x2x128x128xf32, #tpu.memory_space<vmem_shared>> -> memref<1x1x128x128xf32, #tpu.memory_space<vmem_shared>>
    %dma_start3A_95 = tpu.memref_squeeze %dma_start3A_94 : memref<1x1x128x128xf32, #tpu.memory_space<vmem_shared>> -> memref<128x128xf32, #tpu.memory_space<vmem_shared>>
    tpu.enqueue_dma source(%dma_start3A_95 : memref<128x128xf32, #tpu.memory_space<vmem_shared>>) target(%dma_start3A_91 : memref<128x128xf32, #tpu.memory_space<hbm>>) target_semaphore(%arg16 : memref<!tpu.dma_semaphore, #tpu.memory_space<semaphore_mem>>)
    %dma_wait3A_96 = arith.constant 1 : i32
    %dma_wait3A_97 = arith.constant 1 : i32
    %dma_wait3A_98 = arith.constant 0 : i32
    %dma_wait3A_99 = arith.constant 0 : i32
    %dma_wait3A_100 = tpu.memref_slice %arg6[%dma_wait3A_97, %dma_wait3A_98, %dma_wait3A_99] : memref<4x128x128xf32, #tpu.memory_space<vmem>> -> memref<1x128x128xf32, #tpu.memory_space<vmem>>
    %dma_wait3A_101 = tpu.memref_squeeze %dma_wait3A_100 : memref<1x128x128xf32, #tpu.memory_space<vmem>> -> memref<128x128xf32, #tpu.memory_space<vmem>>
    %dma_wait3A_102 = arith.constant 0 : i32
    %dma_wait3A_103 = tpu.memref_slice %arg5[%dma_wait3A_96, %dma_wait3A_102] : memref<200x128xi32, #tpu.memory_space<vmem>> -> memref<1x128xi32, #tpu.memory_space<vmem>>
    %dma_wait3A_104 = tpu.memref_squeeze %dma_wait3A_103 : memref<1x128xi32, #tpu.memory_space<vmem>> -> memref<128xi32, #tpu.memory_space<vmem>>
    %dma_wait3A_105 = arith.constant 0 : i32
    %dma_wait3A_106 = arith.constant 0 : i32
    %dma_wait3A_107 = tpu.memref_slice %arg3[%dma_wait3A_105, %dma_wait3A_106] : memref<100000x128xf32, #tpu.memory_space<hbm>> -> memref<100000x128xf32, #tpu.memory_space<hbm>>
    tpu.wait_indirect_dma semaphore(%arg9 : memref<!tpu.dma_semaphore, #tpu.memory_space<semaphore_mem>>) src(%dma_wait3A_107 : memref<100000x128xf32, #tpu.memory_space<hbm>>) dst(%dma_wait3A_101 : memref<128x128xf32, #tpu.memory_space<vmem>>)
    %dma_start3A_108 = arith.constant 1 : i32
    %dma_start3A_109 = arith.constant 1 : i32
    %dma_start3A_110 = arith.constant 0 : i32
    %dma_start3A_111 = arith.constant 0 : i32
    %dma_start3A_112 = tpu.memref_slice %arg6[%dma_start3A_108, %dma_start3A_110, %dma_start3A_111] : memref<4x128x128xf32, #tpu.memory_space<vmem>> -> memref<1x128x128xf32, #tpu.memory_space<vmem>>
    %dma_start3A_113 = tpu.memref_squeeze %dma_start3A_112 : memref<1x128x128xf32, #tpu.memory_space<vmem>> -> memref<128x128xf32, #tpu.memory_space<vmem>>
    %dma_start3A_114 = arith.constant 0 : i32
    %dma_start3A_115 = arith.constant 0 : i32
    %dma_start3A_116 = tpu.memref_slice %arg7[%arg1, %dma_start3A_109, %dma_start3A_114, %dma_start3A_115] : memref<16x2x128x128xf32, #tpu.memory_space<vmem_shared>> -> memref<1x1x128x128xf32, #tpu.memory_space<vmem_shared>>
    %dma_start3A_117 = tpu.memref_squeeze %dma_start3A_116 : memref<1x1x128x128xf32, #tpu.memory_space<vmem_shared>> -> memref<128x128xf32, #tpu.memory_space<vmem_shared>>
    %dma_start3A_118 = arith.constant 0 : i32
    %dma_start3A_119 = arith.constant 0 : i32
    %dma_start3A_120 = tpu.memref_slice %arg7[%arg1, %dma_start3A_109, %dma_start3A_118, %dma_start3A_119] : memref<16x2x128x128xf32, #tpu.memory_space<vmem_shared>> -> memref<1x1x128x128xf32, #tpu.memory_space<vmem_shared>>
    %dma_start3A_121 = tpu.memref_squeeze %dma_start3A_120 : memref<1x1x128x128xf32, #tpu.memory_space<vmem_shared>> -> memref<128x128xf32, #tpu.memory_space<vmem_shared>>
    %dma_start3A_122 = arith.constant 0 : i32
    %dma_start3A_123 = arith.constant 0 : i32
    %dma_start3A_124 = tpu.memref_slice %arg6[%dma_start3A_108, %dma_start3A_122, %dma_start3A_123] : memref<4x128x128xf32, #tpu.memory_space<vmem>> -> memref<1x128x128xf32, #tpu.memory_space<vmem>>
    %dma_start3A_125 = tpu.memref_squeeze %dma_start3A_124 : memref<1x128x128xf32, #tpu.memory_space<vmem>> -> memref<128x128xf32, #tpu.memory_space<vmem>>
    tpu.enqueue_dma source(%dma_start3A_125 : memref<128x128xf32, #tpu.memory_space<vmem>>) target(%dma_start3A_121 : memref<128x128xf32, #tpu.memory_space<vmem_shared>>) target_semaphore(%arg13 : memref<!tpu.dma_semaphore, #tpu.memory_space<semaphore_mem>>)
    %dma_wait3A_126 = arith.constant 1 : i32
    %dma_wait3A_127 = arith.constant 1 : i32
    %dma_wait3A_128 = arith.constant 0 : i32
    %dma_wait3A_129 = arith.constant 0 : i32
    %dma_wait3A_130 = tpu.memref_slice %arg6[%dma_wait3A_126, %dma_wait3A_128, %dma_wait3A_129] : memref<4x128x128xf32, #tpu.memory_space<vmem>> -> memref<1x128x128xf32, #tpu.memory_space<vmem>>
    %dma_wait3A_131 = tpu.memref_squeeze %dma_wait3A_130 : memref<1x128x128xf32, #tpu.memory_space<vmem>> -> memref<128x128xf32, #tpu.memory_space<vmem>>
    %dma_wait3A_132 = arith.constant 0 : i32
    %dma_wait3A_133 = arith.constant 0 : i32
    %dma_wait3A_134 = tpu.memref_slice %arg7[%arg1, %dma_wait3A_127, %dma_wait3A_132, %dma_wait3A_133] : memref<16x2x128x128xf32, #tpu.memory_space<vmem_shared>> -> memref<1x1x128x128xf32, #tpu.memory_space<vmem_shared>>
    %dma_wait3A_135 = tpu.memref_squeeze %dma_wait3A_134 : memref<1x1x128x128xf32, #tpu.memory_space<vmem_shared>> -> memref<128x128xf32, #tpu.memory_space<vmem_shared>>
    %dma_wait3A_136 = arith.constant 0 : i32
    %dma_wait3A_137 = arith.constant 0 : i32
    %dma_wait3A_138 = tpu.memref_slice %arg7[%arg1, %dma_wait3A_127, %dma_wait3A_136, %dma_wait3A_137] : memref<16x2x128x128xf32, #tpu.memory_space<vmem_shared>> -> memref<1x1x128x128xf32, #tpu.memory_space<vmem_shared>>
    %dma_wait3A_139 = tpu.memref_squeeze %dma_wait3A_138 : memref<1x1x128x128xf32, #tpu.memory_space<vmem_shared>> -> memref<128x128xf32, #tpu.memory_space<vmem_shared>>
    %dma_wait3A_140 = arith.constant 0 : i32
    %dma_wait3A_141 = arith.constant 0 : i32
    %dma_wait3A_142 = tpu.memref_slice %arg6[%dma_wait3A_126, %dma_wait3A_140, %dma_wait3A_141] : memref<4x128x128xf32, #tpu.memory_space<vmem>> -> memref<1x128x128xf32, #tpu.memory_space<vmem>>
    %dma_wait3A_143 = tpu.memref_squeeze %dma_wait3A_142 : memref<1x128x128xf32, #tpu.memory_space<vmem>> -> memref<128x128xf32, #tpu.memory_space<vmem>>
    tpu.wait_dma2 semaphore(%arg13 : memref<!tpu.dma_semaphore, #tpu.memory_space<semaphore_mem>>) src(%dma_wait3A_143 : memref<128x128xf32, #tpu.memory_space<vmem>>) dst(%dma_wait3A_139 : memref<128x128xf32, #tpu.memory_space<vmem_shared>>)
    %dma_start3A_144 = arith.constant 3 : i32
    %dma_start3A_145 = arith.constant 3 : i32
    %dma_start3A_146 = arith.constant 0 : i32
    %dma_start3A_147 = arith.constant 0 : i32
    %dma_start3A_148 = tpu.memref_slice %arg6[%dma_start3A_145, %dma_start3A_146, %dma_start3A_147] : memref<4x128x128xf32, #tpu.memory_space<vmem>> -> memref<1x128x128xf32, #tpu.memory_space<vmem>>
    %dma_start3A_149 = tpu.memref_squeeze %dma_start3A_148 : memref<1x128x128xf32, #tpu.memory_space<vmem>> -> memref<128x128xf32, #tpu.memory_space<vmem>>
    %dma_start3A_150 = arith.constant 0 : i32
    %dma_start3A_151 = tpu.memref_slice %arg5[%dma_start3A_144, %dma_start3A_150] : memref<200x128xi32, #tpu.memory_space<vmem>> -> memref<1x128xi32, #tpu.memory_space<vmem>>
    %dma_start3A_152 = tpu.memref_squeeze %dma_start3A_151 : memref<1x128xi32, #tpu.memory_space<vmem>> -> memref<128xi32, #tpu.memory_space<vmem>>
    %dma_start3A_153 = arith.constant 0 : i32
    %dma_start3A_154 = arith.constant 0 : i32
    %dma_start3A_155 = tpu.memref_slice %arg3[%dma_start3A_153, %dma_start3A_154] : memref<100000x128xf32, #tpu.memory_space<hbm>> -> memref<100000x128xf32, #tpu.memory_space<hbm>>
    tpu.enqueue_indirect_dma source(%dma_start3A_155 : memref<100000x128xf32, #tpu.memory_space<hbm>>) target(%dma_start3A_149 : memref<128x128xf32, #tpu.memory_space<vmem>>) offsets(%dma_start3A_152 : memref<128xi32, #tpu.memory_space<vmem>>) semaphore(%arg11 : memref<!tpu.dma_semaphore, #tpu.memory_space<semaphore_mem>>)
    %add3A_156 = arith.constant 128 : i32
    %add3A_157 = arith.addi %mul3A_4, %add3A_156 : i32
    %dma_start3A_158 = arith.constant 1 : i32
    %dma_start3A_159 = arith.constant 0 : i32
    %dma_start3A_160 = tpu.memref_slice %arg4[%add3A_157, %dma_start3A_159] : memref<819200x128xf32, #tpu.memory_space<hbm>> -> memref<128x128xf32, #tpu.memory_space<hbm>>
    %dma_start3A_161 = arith.constant 0 : i32
    %dma_start3A_162 = arith.constant 0 : i32
    %dma_start3A_163 = tpu.memref_slice %arg7[%arg1, %dma_start3A_158, %dma_start3A_161, %dma_start3A_162] : memref<16x2x128x128xf32, #tpu.memory_space<vmem_shared>> -> memref<1x1x128x128xf32, #tpu.memory_space<vmem_shared>>
    %dma_start3A_164 = tpu.memref_squeeze %dma_start3A_163 : memref<1x1x128x128xf32, #tpu.memory_space<vmem_shared>> -> memref<128x128xf32, #tpu.memory_space<vmem_shared>>
    tpu.enqueue_dma source(%dma_start3A_164 : memref<128x128xf32, #tpu.memory_space<vmem_shared>>) target(%dma_start3A_160 : memref<128x128xf32, #tpu.memory_space<hbm>>) target_semaphore(%arg17 : memref<!tpu.dma_semaphore, #tpu.memory_space<semaphore_mem>>)
    %dma_wait3A_165 = arith.constant 2 : i32
    %dma_wait3A_166 = arith.constant 2 : i32
    %dma_wait3A_167 = arith.constant 0 : i32
    %dma_wait3A_168 = arith.constant 0 : i32
    %dma_wait3A_169 = tpu.memref_slice %arg6[%dma_wait3A_166, %dma_wait3A_167, %dma_wait3A_168] : memref<4x128x128xf32, #tpu.memory_space<vmem>> -> memref<1x128x128xf32, #tpu.memory_space<vmem>>
    %dma_wait3A_170 = tpu.memref_squeeze %dma_wait3A_169 : memref<1x128x128xf32, #tpu.memory_space<vmem>> -> memref<128x128xf32, #tpu.memory_space<vmem>>
    %dma_wait3A_171 = arith.constant 0 : i32
    %dma_wait3A_172 = tpu.memref_slice %arg5[%dma_wait3A_165, %dma_wait3A_171] : memref<200x128xi32, #tpu.memory_space<vmem>> -> memref<1x128xi32, #tpu.memory_space<vmem>>
    %dma_wait3A_173 = tpu.memref_squeeze %dma_wait3A_172 : memref<1x128xi32, #tpu.memory_space<vmem>> -> memref<128xi32, #tpu.memory_space<vmem>>
    %dma_wait3A_174 = arith.constant 0 : i32
    %dma_wait3A_175 = arith.constant 0 : i32
    %dma_wait3A_176 = tpu.memref_slice %arg3[%dma_wait3A_174, %dma_wait3A_175] : memref<100000x128xf32, #tpu.memory_space<hbm>> -> memref<100000x128xf32, #tpu.memory_space<hbm>>
    tpu.wait_indirect_dma semaphore(%arg10 : memref<!tpu.dma_semaphore, #tpu.memory_space<semaphore_mem>>) src(%dma_wait3A_176 : memref<100000x128xf32, #tpu.memory_space<hbm>>) dst(%dma_wait3A_170 : memref<128x128xf32, #tpu.memory_space<vmem>>)
    %add3A_177 = arith.constant 0 : i32
    %add3A_178 = arith.addi %mul3A_4, %add3A_177 : i32
    %dma_wait3A_179 = arith.constant 0 : i32
    %dma_wait3A_180 = arith.constant 0 : i32
    %dma_wait3A_181 = tpu.memref_slice %arg4[%add3A_178, %dma_wait3A_180] : memref<819200x128xf32, #tpu.memory_space<hbm>> -> memref<128x128xf32, #tpu.memory_space<hbm>>
    %dma_wait3A_182 = arith.constant 0 : i32
    %dma_wait3A_183 = arith.constant 0 : i32
    %dma_wait3A_184 = tpu.memref_slice %arg7[%arg1, %dma_wait3A_179, %dma_wait3A_182, %dma_wait3A_183] : memref<16x2x128x128xf32, #tpu.memory_space<vmem_shared>> -> memref<1x1x128x128xf32, #tpu.memory_space<vmem_shared>>
    %dma_wait3A_185 = tpu.memref_squeeze %dma_wait3A_184 : memref<1x1x128x128xf32, #tpu.memory_space<vmem_shared>> -> memref<128x128xf32, #tpu.memory_space<vmem_shared>>
    tpu.wait_dma2 semaphore(%arg16 : memref<!tpu.dma_semaphore, #tpu.memory_space<semaphore_mem>>) src(%dma_wait3A_185 : memref<128x128xf32, #tpu.memory_space<vmem_shared>>) dst(%dma_wait3A_181 : memref<128x128xf32, #tpu.memory_space<hbm>>)
    %dma_start3A_186 = arith.constant 2 : i32
    %dma_start3A_187 = arith.constant 0 : i32
    %dma_start3A_188 = arith.constant 0 : i32
    %dma_start3A_189 = arith.constant 0 : i32
    %dma_start3A_190 = tpu.memref_slice %arg6[%dma_start3A_186, %dma_start3A_188, %dma_start3A_189] : memref<4x128x128xf32, #tpu.memory_space<vmem>> -> memref<1x128x128xf32, #tpu.memory_space<vmem>>
    %dma_start3A_191 = tpu.memref_squeeze %dma_start3A_190 : memref<1x128x128xf32, #tpu.memory_space<vmem>> -> memref<128x128xf32, #tpu.memory_space<vmem>>
    %dma_start3A_192 = arith.constant 0 : i32
    %dma_start3A_193 = arith.constant 0 : i32
    %dma_start3A_194 = tpu.memref_slice %arg7[%arg1, %dma_start3A_187, %dma_start3A_192, %dma_start3A_193] : memref<16x2x128x128xf32, #tpu.memory_space<vmem_shared>> -> memref<1x1x128x128xf32, #tpu.memory_space<vmem_shared>>
    %dma_start3A_195 = tpu.memref_squeeze %dma_start3A_194 : memref<1x1x128x128xf32, #tpu.memory_space<vmem_shared>> -> memref<128x128xf32, #tpu.memory_space<vmem_shared>>
    %dma_start3A_196 = arith.constant 0 : i32
    %dma_start3A_197 = arith.constant 0 : i32
    %dma_start3A_198 = tpu.memref_slice %arg7[%arg1, %dma_start3A_187, %dma_start3A_196, %dma_start3A_197] : memref<16x2x128x128xf32, #tpu.memory_space<vmem_shared>> -> memref<1x1x128x128xf32, #tpu.memory_space<vmem_shared>>
    %dma_start3A_199 = tpu.memref_squeeze %dma_start3A_198 : memref<1x1x128x128xf32, #tpu.memory_space<vmem_shared>> -> memref<128x128xf32, #tpu.memory_space<vmem_shared>>
    %dma_start3A_200 = arith.constant 0 : i32
    %dma_start3A_201 = arith.constant 0 : i32
    %dma_start3A_202 = tpu.memref_slice %arg6[%dma_start3A_186, %dma_start3A_200, %dma_start3A_201] : memref<4x128x128xf32, #tpu.memory_space<vmem>> -> memref<1x128x128xf32, #tpu.memory_space<vmem>>
    %dma_start3A_203 = tpu.memref_squeeze %dma_start3A_202 : memref<1x128x128xf32, #tpu.memory_space<vmem>> -> memref<128x128xf32, #tpu.memory_space<vmem>>
    tpu.enqueue_dma source(%dma_start3A_203 : memref<128x128xf32, #tpu.memory_space<vmem>>) target(%dma_start3A_199 : memref<128x128xf32, #tpu.memory_space<vmem_shared>>) target_semaphore(%arg14 : memref<!tpu.dma_semaphore, #tpu.memory_space<semaphore_mem>>)
    %dma_wait3A_204 = arith.constant 2 : i32
    %dma_wait3A_205 = arith.constant 0 : i32
    %dma_wait3A_206 = arith.constant 0 : i32
    %dma_wait3A_207 = arith.constant 0 : i32
    %dma_wait3A_208 = tpu.memref_slice %arg6[%dma_wait3A_204, %dma_wait3A_206, %dma_wait3A_207] : memref<4x128x128xf32, #tpu.memory_space<vmem>> -> memref<1x128x128xf32, #tpu.memory_space<vmem>>
    %dma_wait3A_209 = tpu.memref_squeeze %dma_wait3A_208 : memref<1x128x128xf32, #tpu.memory_space<vmem>> -> memref<128x128xf32, #tpu.memory_space<vmem>>
    %dma_wait3A_210 = arith.constant 0 : i32
    %dma_wait3A_211 = arith.constant 0 : i32
    %dma_wait3A_212 = tpu.memref_slice %arg7[%arg1, %dma_wait3A_205, %dma_wait3A_210, %dma_wait3A_211] : memref<16x2x128x128xf32, #tpu.memory_space<vmem_shared>> -> memref<1x1x128x128xf32, #tpu.memory_space<vmem_shared>>
    %dma_wait3A_213 = tpu.memref_squeeze %dma_wait3A_212 : memref<1x1x128x128xf32, #tpu.memory_space<vmem_shared>> -> memref<128x128xf32, #tpu.memory_space<vmem_shared>>
    %dma_wait3A_214 = arith.constant 0 : i32
    %dma_wait3A_215 = arith.constant 0 : i32
    %dma_wait3A_216 = tpu.memref_slice %arg7[%arg1, %dma_wait3A_205, %dma_wait3A_214, %dma_wait3A_215] : memref<16x2x128x128xf32, #tpu.memory_space<vmem_shared>> -> memref<1x1x128x128xf32, #tpu.memory_space<vmem_shared>>
    %dma_wait3A_217 = tpu.memref_squeeze %dma_wait3A_216 : memref<1x1x128x128xf32, #tpu.memory_space<vmem_shared>> -> memref<128x128xf32, #tpu.memory_space<vmem_shared>>
    %dma_wait3A_218 = arith.constant 0 : i32
    %dma_wait3A_219 = arith.constant 0 : i32
    %dma_wait3A_220 = tpu.memref_slice %arg6[%dma_wait3A_204, %dma_wait3A_218, %dma_wait3A_219] : memref<4x128x128xf32, #tpu.memory_space<vmem>> -> memref<1x128x128xf32, #tpu.memory_space<vmem>>
    %dma_wait3A_221 = tpu.memref_squeeze %dma_wait3A_220 : memref<1x128x128xf32, #tpu.memory_space<vmem>> -> memref<128x128xf32, #tpu.memory_space<vmem>>
    tpu.wait_dma2 semaphore(%arg14 : memref<!tpu.dma_semaphore, #tpu.memory_space<semaphore_mem>>) src(%dma_wait3A_221 : memref<128x128xf32, #tpu.memory_space<vmem>>) dst(%dma_wait3A_217 : memref<128x128xf32, #tpu.memory_space<vmem_shared>>)
    %dma_start3A_222 = arith.constant 4 : i32
    %dma_start3A_223 = arith.constant 0 : i32
    %dma_start3A_224 = arith.constant 0 : i32
    %dma_start3A_225 = arith.constant 0 : i32
    %dma_start3A_226 = tpu.memref_slice %arg6[%dma_start3A_223, %dma_start3A_224, %dma_start3A_225] : memref<4x128x128xf32, #tpu.memory_space<vmem>> -> memref<1x128x128xf32, #tpu.memory_space<vmem>>
    %dma_start3A_227 = tpu.memref_squeeze %dma_start3A_226 : memref<1x128x128xf32, #tpu.memory_space<vmem>> -> memref<128x128xf32, #tpu.memory_space<vmem>>
    %dma_start3A_228 = arith.constant 0 : i32
    %dma_start3A_229 = tpu.memref_slice %arg5[%dma_start3A_222, %dma_start3A_228] : memref<200x128xi32, #tpu.memory_space<vmem>> -> memref<1x128xi32, #tpu.memory_space<vmem>>
    %dma_start3A_230 = tpu.memref_squeeze %dma_start3A_229 : memref<1x128xi32, #tpu.memory_space<vmem>> -> memref<128xi32, #tpu.memory_space<vmem>>
    %dma_start3A_231 = arith.constant 0 : i32
    %dma_start3A_232 = arith.constant 0 : i32
    %dma_start3A_233 = tpu.memref_slice %arg3[%dma_start3A_231, %dma_start3A_232] : memref<100000x128xf32, #tpu.memory_space<hbm>> -> memref<100000x128xf32, #tpu.memory_space<hbm>>
    tpu.enqueue_indirect_dma source(%dma_start3A_233 : memref<100000x128xf32, #tpu.memory_space<hbm>>) target(%dma_start3A_227 : memref<128x128xf32, #tpu.memory_space<vmem>>) offsets(%dma_start3A_230 : memref<128xi32, #tpu.memory_space<vmem>>) semaphore(%arg8 : memref<!tpu.dma_semaphore, #tpu.memory_space<semaphore_mem>>)
    %add3A_234 = arith.constant 256 : i32
    %add3A_235 = arith.addi %mul3A_4, %add3A_234 : i32
    %dma_start3A_236 = arith.constant 0 : i32
    %dma_start3A_237 = arith.constant 0 : i32
    %dma_start3A_238 = tpu.memref_slice %arg4[%add3A_235, %dma_start3A_237] : memref<819200x128xf32, #tpu.memory_space<hbm>> -> memref<128x128xf32, #tpu.memory_space<hbm>>
    %dma_start3A_239 = arith.constant 0 : i32
    %dma_start3A_240 = arith.constant 0 : i32
    %dma_start3A_241 = tpu.memref_slice %arg7[%arg1, %dma_start3A_236, %dma_start3A_239, %dma_start3A_240] : memref<16x2x128x128xf32, #tpu.memory_space<vmem_shared>> -> memref<1x1x128x128xf32, #tpu.memory_space<vmem_shared>>
    %dma_start3A_242 = tpu.memref_squeeze %dma_start3A_241 : memref<1x1x128x128xf32, #tpu.memory_space<vmem_shared>> -> memref<128x128xf32, #tpu.memory_space<vmem_shared>>
    tpu.enqueue_dma source(%dma_start3A_242 : memref<128x128xf32, #tpu.memory_space<vmem_shared>>) target(%dma_start3A_238 : memref<128x128xf32, #tpu.memory_space<hbm>>) target_semaphore(%arg16 : memref<!tpu.dma_semaphore, #tpu.memory_space<semaphore_mem>>)
    %dma_wait3A_243 = arith.constant 3 : i32
    %dma_wait3A_244 = arith.constant 3 : i32
    %dma_wait3A_245 = arith.constant 0 : i32
    %dma_wait3A_246 = arith.constant 0 : i32
    %dma_wait3A_247 = tpu.memref_slice %arg6[%dma_wait3A_244, %dma_wait3A_245, %dma_wait3A_246] : memref<4x128x128xf32, #tpu.memory_space<vmem>> -> memref<1x128x128xf32, #tpu.memory_space<vmem>>
    %dma_wait3A_248 = tpu.memref_squeeze %dma_wait3A_247 : memref<1x128x128xf32, #tpu.memory_space<vmem>> -> memref<128x128xf32, #tpu.memory_space<vmem>>
    %dma_wait3A_249 = arith.constant 0 : i32
    %dma_wait3A_250 = tpu.memref_slice %arg5[%dma_wait3A_243, %dma_wait3A_249] : memref<200x128xi32, #tpu.memory_space<vmem>> -> memref<1x128xi32, #tpu.memory_space<vmem>>
    %dma_wait3A_251 = tpu.memref_squeeze %dma_wait3A_250 : memref<1x128xi32, #tpu.memory_space<vmem>> -> memref<128xi32, #tpu.memory_space<vmem>>
    %dma_wait3A_252 = arith.constant 0 : i32
    %dma_wait3A_253 = arith.constant 0 : i32
    %dma_wait3A_254 = tpu.memref_slice %arg3[%dma_wait3A_252, %dma_wait3A_253] : memref<100000x128xf32, #tpu.memory_space<hbm>> -> memref<100000x128xf32, #tpu.memory_space<hbm>>
    tpu.wait_indirect_dma semaphore(%arg11 : memref<!tpu.dma_semaphore, #tpu.memory_space<semaphore_mem>>) src(%dma_wait3A_254 : memref<100000x128xf32, #tpu.memory_space<hbm>>) dst(%dma_wait3A_248 : memref<128x128xf32, #tpu.memory_space<vmem>>)
    %add3A_255 = arith.constant 128 : i32
    %add3A_256 = arith.addi %mul3A_4, %add3A_255 : i32
    %dma_wait3A_257 = arith.constant 1 : i32
    %dma_wait3A_258 = arith.constant 0 : i32
    %dma_wait3A_259 = tpu.memref_slice %arg4[%add3A_256, %dma_wait3A_258] : memref<819200x128xf32, #tpu.memory_space<hbm>> -> memref<128x128xf32, #tpu.memory_space<hbm>>
    %dma_wait3A_260 = arith.constant 0 : i32
    %dma_wait3A_261 = arith.constant 0 : i32
    %dma_wait3A_262 = tpu.memref_slice %arg7[%arg1, %dma_wait3A_257, %dma_wait3A_260, %dma_wait3A_261] : memref<16x2x128x128xf32, #tpu.memory_space<vmem_shared>> -> memref<1x1x128x128xf32, #tpu.memory_space<vmem_shared>>
    %dma_wait3A_263 = tpu.memref_squeeze %dma_wait3A_262 : memref<1x1x128x128xf32, #tpu.memory_space<vmem_shared>> -> memref<128x128xf32, #tpu.memory_space<vmem_shared>>
    tpu.wait_dma2 semaphore(%arg17 : memref<!tpu.dma_semaphore, #tpu.memory_space<semaphore_mem>>) src(%dma_wait3A_263 : memref<128x128xf32, #tpu.memory_space<vmem_shared>>) dst(%dma_wait3A_259 : memref<128x128xf32, #tpu.memory_space<hbm>>)
    %dma_start3A_264 = arith.constant 3 : i32
    %dma_start3A_265 = arith.constant 1 : i32
    %dma_start3A_266 = arith.constant 0 : i32
    %dma_start3A_267 = arith.constant 0 : i32
    %dma_start3A_268 = tpu.memref_slice %arg6[%dma_start3A_264, %dma_start3A_266, %dma_start3A_267] : memref<4x128x128xf32, #tpu.memory_space<vmem>> -> memref<1x128x128xf32, #tpu.memory_space<vmem>>
    %dma_start3A_269 = tpu.memref_squeeze %dma_start3A_268 : memref<1x128x128xf32, #tpu.memory_space<vmem>> -> memref<128x128xf32, #tpu.memory_space<vmem>>
    %dma_start3A_270 = arith.constant 0 : i32
    %dma_start3A_271 = arith.constant 0 : i32
    %dma_start3A_272 = tpu.memref_slice %arg7[%arg1, %dma_start3A_265, %dma_start3A_270, %dma_start3A_271] : memref<16x2x128x128xf32, #tpu.memory_space<vmem_shared>> -> memref<1x1x128x128xf32, #tpu.memory_space<vmem_shared>>
    %dma_start3A_273 = tpu.memref_squeeze %dma_start3A_272 : memref<1x1x128x128xf32, #tpu.memory_space<vmem_shared>> -> memref<128x128xf32, #tpu.memory_space<vmem_shared>>
    %dma_start3A_274 = arith.constant 0 : i32
    %dma_start3A_275 = arith.constant 0 : i32
    %dma_start3A_276 = tpu.memref_slice %arg7[%arg1, %dma_start3A_265, %dma_start3A_274, %dma_start3A_275] : memref<16x2x128x128xf32, #tpu.memory_space<vmem_shared>> -> memref<1x1x128x128xf32, #tpu.memory_space<vmem_shared>>
    %dma_start3A_277 = tpu.memref_squeeze %dma_start3A_276 : memref<1x1x128x128xf32, #tpu.memory_space<vmem_shared>> -> memref<128x128xf32, #tpu.memory_space<vmem_shared>>
    %dma_start3A_278 = arith.constant 0 : i32
    %dma_start3A_279 = arith.constant 0 : i32
    %dma_start3A_280 = tpu.memref_slice %arg6[%dma_start3A_264, %dma_start3A_278, %dma_start3A_279] : memref<4x128x128xf32, #tpu.memory_space<vmem>> -> memref<1x128x128xf32, #tpu.memory_space<vmem>>
    %dma_start3A_281 = tpu.memref_squeeze %dma_start3A_280 : memref<1x128x128xf32, #tpu.memory_space<vmem>> -> memref<128x128xf32, #tpu.memory_space<vmem>>
    tpu.enqueue_dma source(%dma_start3A_281 : memref<128x128xf32, #tpu.memory_space<vmem>>) target(%dma_start3A_277 : memref<128x128xf32, #tpu.memory_space<vmem_shared>>) target_semaphore(%arg15 : memref<!tpu.dma_semaphore, #tpu.memory_space<semaphore_mem>>)
    %dma_wait3A_282 = arith.constant 3 : i32
    %dma_wait3A_283 = arith.constant 1 : i32
    %dma_wait3A_284 = arith.constant 0 : i32
    %dma_wait3A_285 = arith.constant 0 : i32
    %dma_wait3A_286 = tpu.memref_slice %arg6[%dma_wait3A_282, %dma_wait3A_284, %dma_wait3A_285] : memref<4x128x128xf32, #tpu.memory_space<vmem>> -> memref<1x128x128xf32, #tpu.memory_space<vmem>>
    %dma_wait3A_287 = tpu.memref_squeeze %dma_wait3A_286 : memref<1x128x128xf32, #tpu.memory_space<vmem>> -> memref<128x128xf32, #tpu.memory_space<vmem>>
    %dma_wait3A_288 = arith.constant 0 : i32
    %dma_wait3A_289 = arith.constant 0 : i32
    %dma_wait3A_290 = tpu.memref_slice %arg7[%arg1, %dma_wait3A_283, %dma_wait3A_288, %dma_wait3A_289] : memref<16x2x128x128xf32, #tpu.memory_space<vmem_shared>> -> memref<1x1x128x128xf32, #tpu.memory_space<vmem_shared>>
    %dma_wait3A_291 = tpu.memref_squeeze %dma_wait3A_290 : memref<1x1x128x128xf32, #tpu.memory_space<vmem_shared>> -> memref<128x128xf32, #tpu.memory_space<vmem_shared>>
    %dma_wait3A_292 = arith.constant 0 : i32
    %dma_wait3A_293 = arith.constant 0 : i32
    %dma_wait3A_294 = tpu.memref_slice %arg7[%arg1, %dma_wait3A_283, %dma_wait3A_292, %dma_wait3A_293] : memref<16x2x128x128xf32, #tpu.memory_space<vmem_shared>> -> memref<1x1x128x128xf32, #tpu.memory_space<vmem_shared>>
    %dma_wait3A_295 = tpu.memref_squeeze %dma_wait3A_294 : memref<1x1x128x128xf32, #tpu.memory_space<vmem_shared>> -> memref<128x128xf32, #tpu.memory_space<vmem_shared>>
    %dma_wait3A_296 = arith.constant 0 : i32
    %dma_wait3A_297 = arith.constant 0 : i32
    %dma_wait3A_298 = tpu.memref_slice %arg6[%dma_wait3A_282, %dma_wait3A_296, %dma_wait3A_297] : memref<4x128x128xf32, #tpu.memory_space<vmem>> -> memref<1x128x128xf32, #tpu.memory_space<vmem>>
    %dma_wait3A_299 = tpu.memref_squeeze %dma_wait3A_298 : memref<1x128x128xf32, #tpu.memory_space<vmem>> -> memref<128x128xf32, #tpu.memory_space<vmem>>
    tpu.wait_dma2 semaphore(%arg15 : memref<!tpu.dma_semaphore, #tpu.memory_space<semaphore_mem>>) src(%dma_wait3A_299 : memref<128x128xf32, #tpu.memory_space<vmem>>) dst(%dma_wait3A_295 : memref<128x128xf32, #tpu.memory_space<vmem_shared>>)
    %dma_start3A_300 = arith.constant 5 : i32
    %dma_start3A_301 = arith.constant 1 : i32
    %dma_start3A_302 = arith.constant 0 : i32
    %dma_start3A_303 = arith.constant 0 : i32
    %dma_start3A_304 = tpu.memref_slice %arg6[%dma_start3A_301, %dma_start3A_302, %dma_start3A_303] : memref<4x128x128xf32, #tpu.memory_space<vmem>> -> memref<1x128x128xf32, #tpu.memory_space<vmem>>
    %dma_start3A_305 = tpu.memref_squeeze %dma_start3A_304 : memref<1x128x128xf32, #tpu.memory_space<vmem>> -> memref<128x128xf32, #tpu.memory_space<vmem>>
    %dma_start3A_306 = arith.constant 0 : i32
    %dma_start3A_307 = tpu.memref_slice %arg5[%dma_start3A_300, %dma_start3A_306] : memref<200x128xi32, #tpu.memory_space<vmem>> -> memref<1x128xi32, #tpu.memory_space<vmem>>
    %dma_start3A_308 = tpu.memref_squeeze %dma_start3A_307 : memref<1x128xi32, #tpu.memory_space<vmem>> -> memref<128xi32, #tpu.memory_space<vmem>>
    %dma_start3A_309 = arith.constant 0 : i32
    %dma_start3A_310 = arith.constant 0 : i32
    %dma_start3A_311 = tpu.memref_slice %arg3[%dma_start3A_309, %dma_start3A_310] : memref<100000x128xf32, #tpu.memory_space<hbm>> -> memref<100000x128xf32, #tpu.memory_space<hbm>>
    tpu.enqueue_indirect_dma source(%dma_start3A_311 : memref<100000x128xf32, #tpu.memory_space<hbm>>) target(%dma_start3A_305 : memref<128x128xf32, #tpu.memory_space<vmem>>) offsets(%dma_start3A_308 : memref<128xi32, #tpu.memory_space<vmem>>) semaphore(%arg9 : memref<!tpu.dma_semaphore, #tpu.memory_space<semaphore_mem>>)
    %add3A_312 = arith.constant 384 : i32
    %add3A_313 = arith.addi %mul3A_4, %add3A_312 : i32
    %dma_start3A_314 = arith.constant 1 : i32
    %dma_start3A_315 = arith.constant 0 : i32
    %dma_start3A_316 = tpu.memref_slice %arg4[%add3A_313, %dma_start3A_315] : memref<819200x128xf32, #tpu.memory_space<hbm>> -> memref<128x128xf32, #tpu.memory_space<hbm>>
    %dma_start3A_317 = arith.constant 0 : i32
    %dma_start3A_318 = arith.constant 0 : i32
    %dma_start3A_319 = tpu.memref_slice %arg7[%arg1, %dma_start3A_314, %dma_start3A_317, %dma_start3A_318] : memref<16x2x128x128xf32, #tpu.memory_space<vmem_shared>> -> memref<1x1x128x128xf32, #tpu.memory_space<vmem_shared>>
    %dma_start3A_320 = tpu.memref_squeeze %dma_start3A_319 : memref<1x1x128x128xf32, #tpu.memory_space<vmem_shared>> -> memref<128x128xf32, #tpu.memory_space<vmem_shared>>
    tpu.enqueue_dma source(%dma_start3A_320 : memref<128x128xf32, #tpu.memory_space<vmem_shared>>) target(%dma_start3A_316 : memref<128x128xf32, #tpu.memory_space<hbm>>) target_semaphore(%arg17 : memref<!tpu.dma_semaphore, #tpu.memory_space<semaphore_mem>>)
    %scan3A = arith.constant 0 : i32
    %scan3A_321 = arith.constant 1 : i32
    %scan3A_322 = arith.constant 48 : i32
    %scan3A_323 = arith.addi %scan3A_321, %scan3A_322 : i32
    %scan3A_324 = arith.constant 1 : i32
    scf.for %scan3A_632 = %scan3A_321 to %scan3A_323 step %scan3A_324  : i32 {
      %mul3A_633 = arith.constant 4 : i32
      %mul3A_634 = arith.muli %mul3A_633, %scan3A_632 : i32
      %add3A_635 = arith.constant 0 : i32
      %add3A_636 = arith.addi %mul3A_634, %add3A_635 : i32
      %dma_wait3A_637 = arith.constant 0 : i32
      %dma_wait3A_638 = arith.constant 0 : i32
      %dma_wait3A_639 = arith.constant 0 : i32
      %dma_wait3A_640 = tpu.memref_slice %arg6[%dma_wait3A_637, %dma_wait3A_638, %dma_wait3A_639] : memref<4x128x128xf32, #tpu.memory_space<vmem>> -> memref<1x128x128xf32, #tpu.memory_space<vmem>>
      %dma_wait3A_641 = tpu.memref_squeeze %dma_wait3A_640 : memref<1x128x128xf32, #tpu.memory_space<vmem>> -> memref<128x128xf32, #tpu.memory_space<vmem>>
      %dma_wait3A_642 = arith.constant 0 : i32
      %dma_wait3A_643 = tpu.memref_slice %arg5[%add3A_636, %dma_wait3A_642] : memref<200x128xi32, #tpu.memory_space<vmem>> -> memref<1x128xi32, #tpu.memory_space<vmem>>
      %dma_wait3A_644 = tpu.memref_squeeze %dma_wait3A_643 : memref<1x128xi32, #tpu.memory_space<vmem>> -> memref<128xi32, #tpu.memory_space<vmem>>
      %dma_wait3A_645 = arith.constant 0 : i32
      %dma_wait3A_646 = arith.constant 0 : i32
      %dma_wait3A_647 = tpu.memref_slice %arg3[%dma_wait3A_645, %dma_wait3A_646] : memref<100000x128xf32, #tpu.memory_space<hbm>> -> memref<100000x128xf32, #tpu.memory_space<hbm>>
      tpu.wait_indirect_dma semaphore(%arg8 : memref<!tpu.dma_semaphore, #tpu.memory_space<semaphore_mem>>) src(%dma_wait3A_647 : memref<100000x128xf32, #tpu.memory_space<hbm>>) dst(%dma_wait3A_641 : memref<128x128xf32, #tpu.memory_space<vmem>>)
      %sub3A = arith.constant 2 : i32
      %sub3A_648 = arith.subi %add3A_636, %sub3A : i32
      %mul3A_649 = arith.constant 128 : i32
      %mul3A_650 = arith.muli %sub3A_648, %mul3A_649 : i32
      %add3A_651 = arith.addi %mul3A_4, %mul3A_650 : i32
      %dma_wait3A_652 = arith.constant 0 : i32
      %dma_wait3A_653 = arith.constant 0 : i32
      %dma_wait3A_654 = tpu.memref_slice %arg4[%add3A_651, %dma_wait3A_653] : memref<819200x128xf32, #tpu.memory_space<hbm>> -> memref<128x128xf32, #tpu.memory_space<hbm>>
      %dma_wait3A_655 = arith.constant 0 : i32
      %dma_wait3A_656 = arith.constant 0 : i32
      %dma_wait3A_657 = tpu.memref_slice %arg7[%arg1, %dma_wait3A_652, %dma_wait3A_655, %dma_wait3A_656] : memref<16x2x128x128xf32, #tpu.memory_space<vmem_shared>> -> memref<1x1x128x128xf32, #tpu.memory_space<vmem_shared>>
      %dma_wait3A_658 = tpu.memref_squeeze %dma_wait3A_657 : memref<1x1x128x128xf32, #tpu.memory_space<vmem_shared>> -> memref<128x128xf32, #tpu.memory_space<vmem_shared>>
      tpu.wait_dma2 semaphore(%arg16 : memref<!tpu.dma_semaphore, #tpu.memory_space<semaphore_mem>>) src(%dma_wait3A_658 : memref<128x128xf32, #tpu.memory_space<vmem_shared>>) dst(%dma_wait3A_654 : memref<128x128xf32, #tpu.memory_space<hbm>>)
      %dma_start3A_659 = arith.constant 0 : i32
      %dma_start3A_660 = arith.constant 0 : i32
      %dma_start3A_661 = arith.constant 0 : i32
      %dma_start3A_662 = arith.constant 0 : i32
      %dma_start3A_663 = tpu.memref_slice %arg6[%dma_start3A_659, %dma_start3A_661, %dma_start3A_662] : memref<4x128x128xf32, #tpu.memory_space<vmem>> -> memref<1x128x128xf32, #tpu.memory_space<vmem>>
      %dma_start3A_664 = tpu.memref_squeeze %dma_start3A_663 : memref<1x128x128xf32, #tpu.memory_space<vmem>> -> memref<128x128xf32, #tpu.memory_space<vmem>>
      %dma_start3A_665 = arith.constant 0 : i32
      %dma_start3A_666 = arith.constant 0 : i32
      %dma_start3A_667 = tpu.memref_slice %arg7[%arg1, %dma_start3A_660, %dma_start3A_665, %dma_start3A_666] : memref<16x2x128x128xf32, #tpu.memory_space<vmem_shared>> -> memref<1x1x128x128xf32, #tpu.memory_space<vmem_shared>>
      %dma_start3A_668 = tpu.memref_squeeze %dma_start3A_667 : memref<1x1x128x128xf32, #tpu.memory_space<vmem_shared>> -> memref<128x128xf32, #tpu.memory_space<vmem_shared>>
      %dma_start3A_669 = arith.constant 0 : i32
      %dma_start3A_670 = arith.constant 0 : i32
      %dma_start3A_671 = tpu.memref_slice %arg7[%arg1, %dma_start3A_660, %dma_start3A_669, %dma_start3A_670] : memref<16x2x128x128xf32, #tpu.memory_space<vmem_shared>> -> memref<1x1x128x128xf32, #tpu.memory_space<vmem_shared>>
      %dma_start3A_672 = tpu.memref_squeeze %dma_start3A_671 : memref<1x1x128x128xf32, #tpu.memory_space<vmem_shared>> -> memref<128x128xf32, #tpu.memory_space<vmem_shared>>
      %dma_start3A_673 = arith.constant 0 : i32
      %dma_start3A_674 = arith.constant 0 : i32
      %dma_start3A_675 = tpu.memref_slice %arg6[%dma_start3A_659, %dma_start3A_673, %dma_start3A_674] : memref<4x128x128xf32, #tpu.memory_space<vmem>> -> memref<1x128x128xf32, #tpu.memory_space<vmem>>
      %dma_start3A_676 = tpu.memref_squeeze %dma_start3A_675 : memref<1x128x128xf32, #tpu.memory_space<vmem>> -> memref<128x128xf32, #tpu.memory_space<vmem>>
      tpu.enqueue_dma source(%dma_start3A_676 : memref<128x128xf32, #tpu.memory_space<vmem>>) target(%dma_start3A_672 : memref<128x128xf32, #tpu.memory_space<vmem_shared>>) target_semaphore(%arg12 : memref<!tpu.dma_semaphore, #tpu.memory_space<semaphore_mem>>)
      %dma_wait3A_677 = arith.constant 0 : i32
      %dma_wait3A_678 = arith.constant 0 : i32
      %dma_wait3A_679 = arith.constant 0 : i32
      %dma_wait3A_680 = arith.constant 0 : i32
      %dma_wait3A_681 = tpu.memref_slice %arg6[%dma_wait3A_677, %dma_wait3A_679, %dma_wait3A_680] : memref<4x128x128xf32, #tpu.memory_space<vmem>> -> memref<1x128x128xf32, #tpu.memory_space<vmem>>
      %dma_wait3A_682 = tpu.memref_squeeze %dma_wait3A_681 : memref<1x128x128xf32, #tpu.memory_space<vmem>> -> memref<128x128xf32, #tpu.memory_space<vmem>>
      %dma_wait3A_683 = arith.constant 0 : i32
      %dma_wait3A_684 = arith.constant 0 : i32
      %dma_wait3A_685 = tpu.memref_slice %arg7[%arg1, %dma_wait3A_678, %dma_wait3A_683, %dma_wait3A_684] : memref<16x2x128x128xf32, #tpu.memory_space<vmem_shared>> -> memref<1x1x128x128xf32, #tpu.memory_space<vmem_shared>>
      %dma_wait3A_686 = tpu.memref_squeeze %dma_wait3A_685 : memref<1x1x128x128xf32, #tpu.memory_space<vmem_shared>> -> memref<128x128xf32, #tpu.memory_space<vmem_shared>>
      %dma_wait3A_687 = arith.constant 0 : i32
      %dma_wait3A_688 = arith.constant 0 : i32
      %dma_wait3A_689 = tpu.memref_slice %arg7[%arg1, %dma_wait3A_678, %dma_wait3A_687, %dma_wait3A_688] : memref<16x2x128x128xf32, #tpu.memory_space<vmem_shared>> -> memref<1x1x128x128xf32, #tpu.memory_space<vmem_shared>>
      %dma_wait3A_690 = tpu.memref_squeeze %dma_wait3A_689 : memref<1x1x128x128xf32, #tpu.memory_space<vmem_shared>> -> memref<128x128xf32, #tpu.memory_space<vmem_shared>>
      %dma_wait3A_691 = arith.constant 0 : i32
      %dma_wait3A_692 = arith.constant 0 : i32
      %dma_wait3A_693 = tpu.memref_slice %arg6[%dma_wait3A_677, %dma_wait3A_691, %dma_wait3A_692] : memref<4x128x128xf32, #tpu.memory_space<vmem>> -> memref<1x128x128xf32, #tpu.memory_space<vmem>>
      %dma_wait3A_694 = tpu.memref_squeeze %dma_wait3A_693 : memref<1x128x128xf32, #tpu.memory_space<vmem>> -> memref<128x128xf32, #tpu.memory_space<vmem>>
      tpu.wait_dma2 semaphore(%arg12 : memref<!tpu.dma_semaphore, #tpu.memory_space<semaphore_mem>>) src(%dma_wait3A_694 : memref<128x128xf32, #tpu.memory_space<vmem>>) dst(%dma_wait3A_690 : memref<128x128xf32, #tpu.memory_space<vmem_shared>>)
      %add3A_695 = arith.constant 2 : i32
      %add3A_696 = arith.addi %add3A_636, %add3A_695 : i32
      %dma_start3A_697 = arith.constant 2 : i32
      %dma_start3A_698 = arith.constant 0 : i32
      %dma_start3A_699 = arith.constant 0 : i32
      %dma_start3A_700 = tpu.memref_slice %arg6[%dma_start3A_697, %dma_start3A_698, %dma_start3A_699] : memref<4x128x128xf32, #tpu.memory_space<vmem>> -> memref<1x128x128xf32, #tpu.memory_space<vmem>>
      %dma_start3A_701 = tpu.memref_squeeze %dma_start3A_700 : memref<1x128x128xf32, #tpu.memory_space<vmem>> -> memref<128x128xf32, #tpu.memory_space<vmem>>
      %dma_start3A_702 = arith.constant 0 : i32
      %dma_start3A_703 = tpu.memref_slice %arg5[%add3A_696, %dma_start3A_702] : memref<200x128xi32, #tpu.memory_space<vmem>> -> memref<1x128xi32, #tpu.memory_space<vmem>>
      %dma_start3A_704 = tpu.memref_squeeze %dma_start3A_703 : memref<1x128xi32, #tpu.memory_space<vmem>> -> memref<128xi32, #tpu.memory_space<vmem>>
      %dma_start3A_705 = arith.constant 0 : i32
      %dma_start3A_706 = arith.constant 0 : i32
      %dma_start3A_707 = tpu.memref_slice %arg3[%dma_start3A_705, %dma_start3A_706] : memref<100000x128xf32, #tpu.memory_space<hbm>> -> memref<100000x128xf32, #tpu.memory_space<hbm>>
      tpu.enqueue_indirect_dma source(%dma_start3A_707 : memref<100000x128xf32, #tpu.memory_space<hbm>>) target(%dma_start3A_701 : memref<128x128xf32, #tpu.memory_space<vmem>>) offsets(%dma_start3A_704 : memref<128xi32, #tpu.memory_space<vmem>>) semaphore(%arg10 : memref<!tpu.dma_semaphore, #tpu.memory_space<semaphore_mem>>)
      %mul3A_708 = arith.constant 128 : i32
      %mul3A_709 = arith.muli %add3A_636, %mul3A_708 : i32
      %add3A_710 = arith.addi %mul3A_4, %mul3A_709 : i32
      %dma_start3A_711 = arith.constant 0 : i32
      %dma_start3A_712 = arith.constant 0 : i32
      %dma_start3A_713 = tpu.memref_slice %arg4[%add3A_710, %dma_start3A_712] : memref<819200x128xf32, #tpu.memory_space<hbm>> -> memref<128x128xf32, #tpu.memory_space<hbm>>
      %dma_start3A_714 = arith.constant 0 : i32
      %dma_start3A_715 = arith.constant 0 : i32
      %dma_start3A_716 = tpu.memref_slice %arg7[%arg1, %dma_start3A_711, %dma_start3A_714, %dma_start3A_715] : memref<16x2x128x128xf32, #tpu.memory_space<vmem_shared>> -> memref<1x1x128x128xf32, #tpu.memory_space<vmem_shared>>
      %dma_start3A_717 = tpu.memref_squeeze %dma_start3A_716 : memref<1x1x128x128xf32, #tpu.memory_space<vmem_shared>> -> memref<128x128xf32, #tpu.memory_space<vmem_shared>>
      tpu.enqueue_dma source(%dma_start3A_717 : memref<128x128xf32, #tpu.memory_space<vmem_shared>>) target(%dma_start3A_713 : memref<128x128xf32, #tpu.memory_space<hbm>>) target_semaphore(%arg16 : memref<!tpu.dma_semaphore, #tpu.memory_space<semaphore_mem>>)
      %mul3A_718 = arith.constant 4 : i32
      %mul3A_719 = arith.muli %mul3A_718, %scan3A_632 : i32
      %add3A_720 = arith.constant 1 : i32
      %add3A_721 = arith.addi %mul3A_719, %add3A_720 : i32
      %dma_wait3A_722 = arith.constant 1 : i32
      %dma_wait3A_723 = arith.constant 0 : i32
      %dma_wait3A_724 = arith.constant 0 : i32
      %dma_wait3A_725 = tpu.memref_slice %arg6[%dma_wait3A_722, %dma_wait3A_723, %dma_wait3A_724] : memref<4x128x128xf32, #tpu.memory_space<vmem>> -> memref<1x128x128xf32, #tpu.memory_space<vmem>>
      %dma_wait3A_726 = tpu.memref_squeeze %dma_wait3A_725 : memref<1x128x128xf32, #tpu.memory_space<vmem>> -> memref<128x128xf32, #tpu.memory_space<vmem>>
      %dma_wait3A_727 = arith.constant 0 : i32
      %dma_wait3A_728 = tpu.memref_slice %arg5[%add3A_721, %dma_wait3A_727] : memref<200x128xi32, #tpu.memory_space<vmem>> -> memref<1x128xi32, #tpu.memory_space<vmem>>
      %dma_wait3A_729 = tpu.memref_squeeze %dma_wait3A_728 : memref<1x128xi32, #tpu.memory_space<vmem>> -> memref<128xi32, #tpu.memory_space<vmem>>
      %dma_wait3A_730 = arith.constant 0 : i32
      %dma_wait3A_731 = arith.constant 0 : i32
      %dma_wait3A_732 = tpu.memref_slice %arg3[%dma_wait3A_730, %dma_wait3A_731] : memref<100000x128xf32, #tpu.memory_space<hbm>> -> memref<100000x128xf32, #tpu.memory_space<hbm>>
      tpu.wait_indirect_dma semaphore(%arg9 : memref<!tpu.dma_semaphore, #tpu.memory_space<semaphore_mem>>) src(%dma_wait3A_732 : memref<100000x128xf32, #tpu.memory_space<hbm>>) dst(%dma_wait3A_726 : memref<128x128xf32, #tpu.memory_space<vmem>>)
      %sub3A_733 = arith.constant 2 : i32
      %sub3A_734 = arith.subi %add3A_721, %sub3A_733 : i32
      %mul3A_735 = arith.constant 128 : i32
      %mul3A_736 = arith.muli %sub3A_734, %mul3A_735 : i32
      %add3A_737 = arith.addi %mul3A_4, %mul3A_736 : i32
      %dma_wait3A_738 = arith.constant 1 : i32
      %dma_wait3A_739 = arith.constant 0 : i32
      %dma_wait3A_740 = tpu.memref_slice %arg4[%add3A_737, %dma_wait3A_739] : memref<819200x128xf32, #tpu.memory_space<hbm>> -> memref<128x128xf32, #tpu.memory_space<hbm>>
      %dma_wait3A_741 = arith.constant 0 : i32
      %dma_wait3A_742 = arith.constant 0 : i32
      %dma_wait3A_743 = tpu.memref_slice %arg7[%arg1, %dma_wait3A_738, %dma_wait3A_741, %dma_wait3A_742] : memref<16x2x128x128xf32, #tpu.memory_space<vmem_shared>> -> memref<1x1x128x128xf32, #tpu.memory_space<vmem_shared>>
      %dma_wait3A_744 = tpu.memref_squeeze %dma_wait3A_743 : memref<1x1x128x128xf32, #tpu.memory_space<vmem_shared>> -> memref<128x128xf32, #tpu.memory_space<vmem_shared>>
      tpu.wait_dma2 semaphore(%arg17 : memref<!tpu.dma_semaphore, #tpu.memory_space<semaphore_mem>>) src(%dma_wait3A_744 : memref<128x128xf32, #tpu.memory_space<vmem_shared>>) dst(%dma_wait3A_740 : memref<128x128xf32, #tpu.memory_space<hbm>>)
      %dma_start3A_745 = arith.constant 1 : i32
      %dma_start3A_746 = arith.constant 1 : i32
      %dma_start3A_747 = arith.constant 0 : i32
      %dma_start3A_748 = arith.constant 0 : i32
      %dma_start3A_749 = tpu.memref_slice %arg6[%dma_start3A_745, %dma_start3A_747, %dma_start3A_748] : memref<4x128x128xf32, #tpu.memory_space<vmem>> -> memref<1x128x128xf32, #tpu.memory_space<vmem>>
      %dma_start3A_750 = tpu.memref_squeeze %dma_start3A_749 : memref<1x128x128xf32, #tpu.memory_space<vmem>> -> memref<128x128xf32, #tpu.memory_space<vmem>>
      %dma_start3A_751 = arith.constant 0 : i32
      %dma_start3A_752 = arith.constant 0 : i32
      %dma_start3A_753 = tpu.memref_slice %arg7[%arg1, %dma_start3A_746, %dma_start3A_751, %dma_start3A_752] : memref<16x2x128x128xf32, #tpu.memory_space<vmem_shared>> -> memref<1x1x128x128xf32, #tpu.memory_space<vmem_shared>>
      %dma_start3A_754 = tpu.memref_squeeze %dma_start3A_753 : memref<1x1x128x128xf32, #tpu.memory_space<vmem_shared>> -> memref<128x128xf32, #tpu.memory_space<vmem_shared>>
      %dma_start3A_755 = arith.constant 0 : i32
      %dma_start3A_756 = arith.constant 0 : i32
      %dma_start3A_757 = tpu.memref_slice %arg7[%arg1, %dma_start3A_746, %dma_start3A_755, %dma_start3A_756] : memref<16x2x128x128xf32, #tpu.memory_space<vmem_shared>> -> memref<1x1x128x128xf32, #tpu.memory_space<vmem_shared>>
      %dma_start3A_758 = tpu.memref_squeeze %dma_start3A_757 : memref<1x1x128x128xf32, #tpu.memory_space<vmem_shared>> -> memref<128x128xf32, #tpu.memory_space<vmem_shared>>
      %dma_start3A_759 = arith.constant 0 : i32
      %dma_start3A_760 = arith.constant 0 : i32
      %dma_start3A_761 = tpu.memref_slice %arg6[%dma_start3A_745, %dma_start3A_759, %dma_start3A_760] : memref<4x128x128xf32, #tpu.memory_space<vmem>> -> memref<1x128x128xf32, #tpu.memory_space<vmem>>
      %dma_start3A_762 = tpu.memref_squeeze %dma_start3A_761 : memref<1x128x128xf32, #tpu.memory_space<vmem>> -> memref<128x128xf32, #tpu.memory_space<vmem>>
      tpu.enqueue_dma source(%dma_start3A_762 : memref<128x128xf32, #tpu.memory_space<vmem>>) target(%dma_start3A_758 : memref<128x128xf32, #tpu.memory_space<vmem_shared>>) target_semaphore(%arg13 : memref<!tpu.dma_semaphore, #tpu.memory_space<semaphore_mem>>)
      %dma_wait3A_763 = arith.constant 1 : i32
      %dma_wait3A_764 = arith.constant 1 : i32
      %dma_wait3A_765 = arith.constant 0 : i32
      %dma_wait3A_766 = arith.constant 0 : i32
      %dma_wait3A_767 = tpu.memref_slice %arg6[%dma_wait3A_763, %dma_wait3A_765, %dma_wait3A_766] : memref<4x128x128xf32, #tpu.memory_space<vmem>> -> memref<1x128x128xf32, #tpu.memory_space<vmem>>
      %dma_wait3A_768 = tpu.memref_squeeze %dma_wait3A_767 : memref<1x128x128xf32, #tpu.memory_space<vmem>> -> memref<128x128xf32, #tpu.memory_space<vmem>>
      %dma_wait3A_769 = arith.constant 0 : i32
      %dma_wait3A_770 = arith.constant 0 : i32
      %dma_wait3A_771 = tpu.memref_slice %arg7[%arg1, %dma_wait3A_764, %dma_wait3A_769, %dma_wait3A_770] : memref<16x2x128x128xf32, #tpu.memory_space<vmem_shared>> -> memref<1x1x128x128xf32, #tpu.memory_space<vmem_shared>>
      %dma_wait3A_772 = tpu.memref_squeeze %dma_wait3A_771 : memref<1x1x128x128xf32, #tpu.memory_space<vmem_shared>> -> memref<128x128xf32, #tpu.memory_space<vmem_shared>>
      %dma_wait3A_773 = arith.constant 0 : i32
      %dma_wait3A_774 = arith.constant 0 : i32
      %dma_wait3A_775 = tpu.memref_slice %arg7[%arg1, %dma_wait3A_764, %dma_wait3A_773, %dma_wait3A_774] : memref<16x2x128x128xf32, #tpu.memory_space<vmem_shared>> -> memref<1x1x128x128xf32, #tpu.memory_space<vmem_shared>>
      %dma_wait3A_776 = tpu.memref_squeeze %dma_wait3A_775 : memref<1x1x128x128xf32, #tpu.memory_space<vmem_shared>> -> memref<128x128xf32, #tpu.memory_space<vmem_shared>>
      %dma_wait3A_777 = arith.constant 0 : i32
      %dma_wait3A_778 = arith.constant 0 : i32
      %dma_wait3A_779 = tpu.memref_slice %arg6[%dma_wait3A_763, %dma_wait3A_777, %dma_wait3A_778] : memref<4x128x128xf32, #tpu.memory_space<vmem>> -> memref<1x128x128xf32, #tpu.memory_space<vmem>>
      %dma_wait3A_780 = tpu.memref_squeeze %dma_wait3A_779 : memref<1x128x128xf32, #tpu.memory_space<vmem>> -> memref<128x128xf32, #tpu.memory_space<vmem>>
      tpu.wait_dma2 semaphore(%arg13 : memref<!tpu.dma_semaphore, #tpu.memory_space<semaphore_mem>>) src(%dma_wait3A_780 : memref<128x128xf32, #tpu.memory_space<vmem>>) dst(%dma_wait3A_776 : memref<128x128xf32, #tpu.memory_space<vmem_shared>>)
      %add3A_781 = arith.constant 2 : i32
      %add3A_782 = arith.addi %add3A_721, %add3A_781 : i32
      %dma_start3A_783 = arith.constant 3 : i32
      %dma_start3A_784 = arith.constant 0 : i32
      %dma_start3A_785 = arith.constant 0 : i32
      %dma_start3A_786 = tpu.memref_slice %arg6[%dma_start3A_783, %dma_start3A_784, %dma_start3A_785] : memref<4x128x128xf32, #tpu.memory_space<vmem>> -> memref<1x128x128xf32, #tpu.memory_space<vmem>>
      %dma_start3A_787 = tpu.memref_squeeze %dma_start3A_786 : memref<1x128x128xf32, #tpu.memory_space<vmem>> -> memref<128x128xf32, #tpu.memory_space<vmem>>
      %dma_start3A_788 = arith.constant 0 : i32
      %dma_start3A_789 = tpu.memref_slice %arg5[%add3A_782, %dma_start3A_788] : memref<200x128xi32, #tpu.memory_space<vmem>> -> memref<1x128xi32, #tpu.memory_space<vmem>>
      %dma_start3A_790 = tpu.memref_squeeze %dma_start3A_789 : memref<1x128xi32, #tpu.memory_space<vmem>> -> memref<128xi32, #tpu.memory_space<vmem>>
      %dma_start3A_791 = arith.constant 0 : i32
      %dma_start3A_792 = arith.constant 0 : i32
      %dma_start3A_793 = tpu.memref_slice %arg3[%dma_start3A_791, %dma_start3A_792] : memref<100000x128xf32, #tpu.memory_space<hbm>> -> memref<100000x128xf32, #tpu.memory_space<hbm>>
      tpu.enqueue_indirect_dma source(%dma_start3A_793 : memref<100000x128xf32, #tpu.memory_space<hbm>>) target(%dma_start3A_787 : memref<128x128xf32, #tpu.memory_space<vmem>>) offsets(%dma_start3A_790 : memref<128xi32, #tpu.memory_space<vmem>>) semaphore(%arg11 : memref<!tpu.dma_semaphore, #tpu.memory_space<semaphore_mem>>)
      %mul3A_794 = arith.constant 128 : i32
      %mul3A_795 = arith.muli %add3A_721, %mul3A_794 : i32
      %add3A_796 = arith.addi %mul3A_4, %mul3A_795 : i32
      %dma_start3A_797 = arith.constant 1 : i32
      %dma_start3A_798 = arith.constant 0 : i32
      %dma_start3A_799 = tpu.memref_slice %arg4[%add3A_796, %dma_start3A_798] : memref<819200x128xf32, #tpu.memory_space<hbm>> -> memref<128x128xf32, #tpu.memory_space<hbm>>
      %dma_start3A_800 = arith.constant 0 : i32
      %dma_start3A_801 = arith.constant 0 : i32
      %dma_start3A_802 = tpu.memref_slice %arg7[%arg1, %dma_start3A_797, %dma_start3A_800, %dma_start3A_801] : memref<16x2x128x128xf32, #tpu.memory_space<vmem_shared>> -> memref<1x1x128x128xf32, #tpu.memory_space<vmem_shared>>
      %dma_start3A_803 = tpu.memref_squeeze %dma_start3A_802 : memref<1x1x128x128xf32, #tpu.memory_space<vmem_shared>> -> memref<128x128xf32, #tpu.memory_space<vmem_shared>>
      tpu.enqueue_dma source(%dma_start3A_803 : memref<128x128xf32, #tpu.memory_space<vmem_shared>>) target(%dma_start3A_799 : memref<128x128xf32, #tpu.memory_space<hbm>>) target_semaphore(%arg17 : memref<!tpu.dma_semaphore, #tpu.memory_space<semaphore_mem>>)
      %mul3A_804 = arith.constant 4 : i32
      %mul3A_805 = arith.muli %mul3A_804, %scan3A_632 : i32
      %add3A_806 = arith.constant 2 : i32
      %add3A_807 = arith.addi %mul3A_805, %add3A_806 : i32
      %dma_wait3A_808 = arith.constant 2 : i32
      %dma_wait3A_809 = arith.constant 0 : i32
      %dma_wait3A_810 = arith.constant 0 : i32
      %dma_wait3A_811 = tpu.memref_slice %arg6[%dma_wait3A_808, %dma_wait3A_809, %dma_wait3A_810] : memref<4x128x128xf32, #tpu.memory_space<vmem>> -> memref<1x128x128xf32, #tpu.memory_space<vmem>>
      %dma_wait3A_812 = tpu.memref_squeeze %dma_wait3A_811 : memref<1x128x128xf32, #tpu.memory_space<vmem>> -> memref<128x128xf32, #tpu.memory_space<vmem>>
      %dma_wait3A_813 = arith.constant 0 : i32
      %dma_wait3A_814 = tpu.memref_slice %arg5[%add3A_807, %dma_wait3A_813] : memref<200x128xi32, #tpu.memory_space<vmem>> -> memref<1x128xi32, #tpu.memory_space<vmem>>
      %dma_wait3A_815 = tpu.memref_squeeze %dma_wait3A_814 : memref<1x128xi32, #tpu.memory_space<vmem>> -> memref<128xi32, #tpu.memory_space<vmem>>
      %dma_wait3A_816 = arith.constant 0 : i32
      %dma_wait3A_817 = arith.constant 0 : i32
      %dma_wait3A_818 = tpu.memref_slice %arg3[%dma_wait3A_816, %dma_wait3A_817] : memref<100000x128xf32, #tpu.memory_space<hbm>> -> memref<100000x128xf32, #tpu.memory_space<hbm>>
      tpu.wait_indirect_dma semaphore(%arg10 : memref<!tpu.dma_semaphore, #tpu.memory_space<semaphore_mem>>) src(%dma_wait3A_818 : memref<100000x128xf32, #tpu.memory_space<hbm>>) dst(%dma_wait3A_812 : memref<128x128xf32, #tpu.memory_space<vmem>>)
      %sub3A_819 = arith.constant 2 : i32
      %sub3A_820 = arith.subi %add3A_807, %sub3A_819 : i32
      %mul3A_821 = arith.constant 128 : i32
      %mul3A_822 = arith.muli %sub3A_820, %mul3A_821 : i32
      %add3A_823 = arith.addi %mul3A_4, %mul3A_822 : i32
      %dma_wait3A_824 = arith.constant 0 : i32
      %dma_wait3A_825 = arith.constant 0 : i32
      %dma_wait3A_826 = tpu.memref_slice %arg4[%add3A_823, %dma_wait3A_825] : memref<819200x128xf32, #tpu.memory_space<hbm>> -> memref<128x128xf32, #tpu.memory_space<hbm>>
      %dma_wait3A_827 = arith.constant 0 : i32
      %dma_wait3A_828 = arith.constant 0 : i32
      %dma_wait3A_829 = tpu.memref_slice %arg7[%arg1, %dma_wait3A_824, %dma_wait3A_827, %dma_wait3A_828] : memref<16x2x128x128xf32, #tpu.memory_space<vmem_shared>> -> memref<1x1x128x128xf32, #tpu.memory_space<vmem_shared>>
      %dma_wait3A_830 = tpu.memref_squeeze %dma_wait3A_829 : memref<1x1x128x128xf32, #tpu.memory_space<vmem_shared>> -> memref<128x128xf32, #tpu.memory_space<vmem_shared>>
      tpu.wait_dma2 semaphore(%arg16 : memref<!tpu.dma_semaphore, #tpu.memory_space<semaphore_mem>>) src(%dma_wait3A_830 : memref<128x128xf32, #tpu.memory_space<vmem_shared>>) dst(%dma_wait3A_826 : memref<128x128xf32, #tpu.memory_space<hbm>>)
      %dma_start3A_831 = arith.constant 2 : i32
      %dma_start3A_832 = arith.constant 0 : i32
      %dma_start3A_833 = arith.constant 0 : i32
      %dma_start3A_834 = arith.constant 0 : i32
      %dma_start3A_835 = tpu.memref_slice %arg6[%dma_start3A_831, %dma_start3A_833, %dma_start3A_834] : memref<4x128x128xf32, #tpu.memory_space<vmem>> -> memref<1x128x128xf32, #tpu.memory_space<vmem>>
      %dma_start3A_836 = tpu.memref_squeeze %dma_start3A_835 : memref<1x128x128xf32, #tpu.memory_space<vmem>> -> memref<128x128xf32, #tpu.memory_space<vmem>>
      %dma_start3A_837 = arith.constant 0 : i32
      %dma_start3A_838 = arith.constant 0 : i32
      %dma_start3A_839 = tpu.memref_slice %arg7[%arg1, %dma_start3A_832, %dma_start3A_837, %dma_start3A_838] : memref<16x2x128x128xf32, #tpu.memory_space<vmem_shared>> -> memref<1x1x128x128xf32, #tpu.memory_space<vmem_shared>>
      %dma_start3A_840 = tpu.memref_squeeze %dma_start3A_839 : memref<1x1x128x128xf32, #tpu.memory_space<vmem_shared>> -> memref<128x128xf32, #tpu.memory_space<vmem_shared>>
      %dma_start3A_841 = arith.constant 0 : i32
      %dma_start3A_842 = arith.constant 0 : i32
      %dma_start3A_843 = tpu.memref_slice %arg7[%arg1, %dma_start3A_832, %dma_start3A_841, %dma_start3A_842] : memref<16x2x128x128xf32, #tpu.memory_space<vmem_shared>> -> memref<1x1x128x128xf32, #tpu.memory_space<vmem_shared>>
      %dma_start3A_844 = tpu.memref_squeeze %dma_start3A_843 : memref<1x1x128x128xf32, #tpu.memory_space<vmem_shared>> -> memref<128x128xf32, #tpu.memory_space<vmem_shared>>
      %dma_start3A_845 = arith.constant 0 : i32
      %dma_start3A_846 = arith.constant 0 : i32
      %dma_start3A_847 = tpu.memref_slice %arg6[%dma_start3A_831, %dma_start3A_845, %dma_start3A_846] : memref<4x128x128xf32, #tpu.memory_space<vmem>> -> memref<1x128x128xf32, #tpu.memory_space<vmem>>
      %dma_start3A_848 = tpu.memref_squeeze %dma_start3A_847 : memref<1x128x128xf32, #tpu.memory_space<vmem>> -> memref<128x128xf32, #tpu.memory_space<vmem>>
      tpu.enqueue_dma source(%dma_start3A_848 : memref<128x128xf32, #tpu.memory_space<vmem>>) target(%dma_start3A_844 : memref<128x128xf32, #tpu.memory_space<vmem_shared>>) target_semaphore(%arg14 : memref<!tpu.dma_semaphore, #tpu.memory_space<semaphore_mem>>)
      %dma_wait3A_849 = arith.constant 2 : i32
      %dma_wait3A_850 = arith.constant 0 : i32
      %dma_wait3A_851 = arith.constant 0 : i32
      %dma_wait3A_852 = arith.constant 0 : i32
      %dma_wait3A_853 = tpu.memref_slice %arg6[%dma_wait3A_849, %dma_wait3A_851, %dma_wait3A_852] : memref<4x128x128xf32, #tpu.memory_space<vmem>> -> memref<1x128x128xf32, #tpu.memory_space<vmem>>
      %dma_wait3A_854 = tpu.memref_squeeze %dma_wait3A_853 : memref<1x128x128xf32, #tpu.memory_space<vmem>> -> memref<128x128xf32, #tpu.memory_space<vmem>>
      %dma_wait3A_855 = arith.constant 0 : i32
      %dma_wait3A_856 = arith.constant 0 : i32
      %dma_wait3A_857 = tpu.memref_slice %arg7[%arg1, %dma_wait3A_850, %dma_wait3A_855, %dma_wait3A_856] : memref<16x2x128x128xf32, #tpu.memory_space<vmem_shared>> -> memref<1x1x128x128xf32, #tpu.memory_space<vmem_shared>>
      %dma_wait3A_858 = tpu.memref_squeeze %dma_wait3A_857 : memref<1x1x128x128xf32, #tpu.memory_space<vmem_shared>> -> memref<128x128xf32, #tpu.memory_space<vmem_shared>>
      %dma_wait3A_859 = arith.constant 0 : i32
      %dma_wait3A_860 = arith.constant 0 : i32
      %dma_wait3A_861 = tpu.memref_slice %arg7[%arg1, %dma_wait3A_850, %dma_wait3A_859, %dma_wait3A_860] : memref<16x2x128x128xf32, #tpu.memory_space<vmem_shared>> -> memref<1x1x128x128xf32, #tpu.memory_space<vmem_shared>>
      %dma_wait3A_862 = tpu.memref_squeeze %dma_wait3A_861 : memref<1x1x128x128xf32, #tpu.memory_space<vmem_shared>> -> memref<128x128xf32, #tpu.memory_space<vmem_shared>>
      %dma_wait3A_863 = arith.constant 0 : i32
      %dma_wait3A_864 = arith.constant 0 : i32
      %dma_wait3A_865 = tpu.memref_slice %arg6[%dma_wait3A_849, %dma_wait3A_863, %dma_wait3A_864] : memref<4x128x128xf32, #tpu.memory_space<vmem>> -> memref<1x128x128xf32, #tpu.memory_space<vmem>>
      %dma_wait3A_866 = tpu.memref_squeeze %dma_wait3A_865 : memref<1x128x128xf32, #tpu.memory_space<vmem>> -> memref<128x128xf32, #tpu.memory_space<vmem>>
      tpu.wait_dma2 semaphore(%arg14 : memref<!tpu.dma_semaphore, #tpu.memory_space<semaphore_mem>>) src(%dma_wait3A_866 : memref<128x128xf32, #tpu.memory_space<vmem>>) dst(%dma_wait3A_862 : memref<128x128xf32, #tpu.memory_space<vmem_shared>>)
      %add3A_867 = arith.constant 2 : i32
      %add3A_868 = arith.addi %add3A_807, %add3A_867 : i32
      %dma_start3A_869 = arith.constant 0 : i32
      %dma_start3A_870 = arith.constant 0 : i32
      %dma_start3A_871 = arith.constant 0 : i32
      %dma_start3A_872 = tpu.memref_slice %arg6[%dma_start3A_869, %dma_start3A_870, %dma_start3A_871] : memref<4x128x128xf32, #tpu.memory_space<vmem>> -> memref<1x128x128xf32, #tpu.memory_space<vmem>>
      %dma_start3A_873 = tpu.memref_squeeze %dma_start3A_872 : memref<1x128x128xf32, #tpu.memory_space<vmem>> -> memref<128x128xf32, #tpu.memory_space<vmem>>
      %dma_start3A_874 = arith.constant 0 : i32
      %dma_start3A_875 = tpu.memref_slice %arg5[%add3A_868, %dma_start3A_874] : memref<200x128xi32, #tpu.memory_space<vmem>> -> memref<1x128xi32, #tpu.memory_space<vmem>>
      %dma_start3A_876 = tpu.memref_squeeze %dma_start3A_875 : memref<1x128xi32, #tpu.memory_space<vmem>> -> memref<128xi32, #tpu.memory_space<vmem>>
      %dma_start3A_877 = arith.constant 0 : i32
      %dma_start3A_878 = arith.constant 0 : i32
      %dma_start3A_879 = tpu.memref_slice %arg3[%dma_start3A_877, %dma_start3A_878] : memref<100000x128xf32, #tpu.memory_space<hbm>> -> memref<100000x128xf32, #tpu.memory_space<hbm>>
      tpu.enqueue_indirect_dma source(%dma_start3A_879 : memref<100000x128xf32, #tpu.memory_space<hbm>>) target(%dma_start3A_873 : memref<128x128xf32, #tpu.memory_space<vmem>>) offsets(%dma_start3A_876 : memref<128xi32, #tpu.memory_space<vmem>>) semaphore(%arg8 : memref<!tpu.dma_semaphore, #tpu.memory_space<semaphore_mem>>)
      %mul3A_880 = arith.constant 128 : i32
      %mul3A_881 = arith.muli %add3A_807, %mul3A_880 : i32
      %add3A_882 = arith.addi %mul3A_4, %mul3A_881 : i32
      %dma_start3A_883 = arith.constant 0 : i32
      %dma_start3A_884 = arith.constant 0 : i32
      %dma_start3A_885 = tpu.memref_slice %arg4[%add3A_882, %dma_start3A_884] : memref<819200x128xf32, #tpu.memory_space<hbm>> -> memref<128x128xf32, #tpu.memory_space<hbm>>
      %dma_start3A_886 = arith.constant 0 : i32
      %dma_start3A_887 = arith.constant 0 : i32
      %dma_start3A_888 = tpu.memref_slice %arg7[%arg1, %dma_start3A_883, %dma_start3A_886, %dma_start3A_887] : memref<16x2x128x128xf32, #tpu.memory_space<vmem_shared>> -> memref<1x1x128x128xf32, #tpu.memory_space<vmem_shared>>
      %dma_start3A_889 = tpu.memref_squeeze %dma_start3A_888 : memref<1x1x128x128xf32, #tpu.memory_space<vmem_shared>> -> memref<128x128xf32, #tpu.memory_space<vmem_shared>>
      tpu.enqueue_dma source(%dma_start3A_889 : memref<128x128xf32, #tpu.memory_space<vmem_shared>>) target(%dma_start3A_885 : memref<128x128xf32, #tpu.memory_space<hbm>>) target_semaphore(%arg16 : memref<!tpu.dma_semaphore, #tpu.memory_space<semaphore_mem>>)
      %mul3A_890 = arith.constant 4 : i32
      %mul3A_891 = arith.muli %mul3A_890, %scan3A_632 : i32
      %add3A_892 = arith.constant 3 : i32
      %add3A_893 = arith.addi %mul3A_891, %add3A_892 : i32
      %dma_wait3A_894 = arith.constant 3 : i32
      %dma_wait3A_895 = arith.constant 0 : i32
      %dma_wait3A_896 = arith.constant 0 : i32
      %dma_wait3A_897 = tpu.memref_slice %arg6[%dma_wait3A_894, %dma_wait3A_895, %dma_wait3A_896] : memref<4x128x128xf32, #tpu.memory_space<vmem>> -> memref<1x128x128xf32, #tpu.memory_space<vmem>>
      %dma_wait3A_898 = tpu.memref_squeeze %dma_wait3A_897 : memref<1x128x128xf32, #tpu.memory_space<vmem>> -> memref<128x128xf32, #tpu.memory_space<vmem>>
      %dma_wait3A_899 = arith.constant 0 : i32
      %dma_wait3A_900 = tpu.memref_slice %arg5[%add3A_893, %dma_wait3A_899] : memref<200x128xi32, #tpu.memory_space<vmem>> -> memref<1x128xi32, #tpu.memory_space<vmem>>
      %dma_wait3A_901 = tpu.memref_squeeze %dma_wait3A_900 : memref<1x128xi32, #tpu.memory_space<vmem>> -> memref<128xi32, #tpu.memory_space<vmem>>
      %dma_wait3A_902 = arith.constant 0 : i32
      %dma_wait3A_903 = arith.constant 0 : i32
      %dma_wait3A_904 = tpu.memref_slice %arg3[%dma_wait3A_902, %dma_wait3A_903] : memref<100000x128xf32, #tpu.memory_space<hbm>> -> memref<100000x128xf32, #tpu.memory_space<hbm>>
      tpu.wait_indirect_dma semaphore(%arg11 : memref<!tpu.dma_semaphore, #tpu.memory_space<semaphore_mem>>) src(%dma_wait3A_904 : memref<100000x128xf32, #tpu.memory_space<hbm>>) dst(%dma_wait3A_898 : memref<128x128xf32, #tpu.memory_space<vmem>>)
      %sub3A_905 = arith.constant 2 : i32
      %sub3A_906 = arith.subi %add3A_893, %sub3A_905 : i32
      %mul3A_907 = arith.constant 128 : i32
      %mul3A_908 = arith.muli %sub3A_906, %mul3A_907 : i32
      %add3A_909 = arith.addi %mul3A_4, %mul3A_908 : i32
      %dma_wait3A_910 = arith.constant 1 : i32
      %dma_wait3A_911 = arith.constant 0 : i32
      %dma_wait3A_912 = tpu.memref_slice %arg4[%add3A_909, %dma_wait3A_911] : memref<819200x128xf32, #tpu.memory_space<hbm>> -> memref<128x128xf32, #tpu.memory_space<hbm>>
      %dma_wait3A_913 = arith.constant 0 : i32
      %dma_wait3A_914 = arith.constant 0 : i32
      %dma_wait3A_915 = tpu.memref_slice %arg7[%arg1, %dma_wait3A_910, %dma_wait3A_913, %dma_wait3A_914] : memref<16x2x128x128xf32, #tpu.memory_space<vmem_shared>> -> memref<1x1x128x128xf32, #tpu.memory_space<vmem_shared>>
      %dma_wait3A_916 = tpu.memref_squeeze %dma_wait3A_915 : memref<1x1x128x128xf32, #tpu.memory_space<vmem_shared>> -> memref<128x128xf32, #tpu.memory_space<vmem_shared>>
      tpu.wait_dma2 semaphore(%arg17 : memref<!tpu.dma_semaphore, #tpu.memory_space<semaphore_mem>>) src(%dma_wait3A_916 : memref<128x128xf32, #tpu.memory_space<vmem_shared>>) dst(%dma_wait3A_912 : memref<128x128xf32, #tpu.memory_space<hbm>>)
      %dma_start3A_917 = arith.constant 3 : i32
      %dma_start3A_918 = arith.constant 1 : i32
      %dma_start3A_919 = arith.constant 0 : i32
      %dma_start3A_920 = arith.constant 0 : i32
      %dma_start3A_921 = tpu.memref_slice %arg6[%dma_start3A_917, %dma_start3A_919, %dma_start3A_920] : memref<4x128x128xf32, #tpu.memory_space<vmem>> -> memref<1x128x128xf32, #tpu.memory_space<vmem>>
      %dma_start3A_922 = tpu.memref_squeeze %dma_start3A_921 : memref<1x128x128xf32, #tpu.memory_space<vmem>> -> memref<128x128xf32, #tpu.memory_space<vmem>>
      %dma_start3A_923 = arith.constant 0 : i32
      %dma_start3A_924 = arith.constant 0 : i32
      %dma_start3A_925 = tpu.memref_slice %arg7[%arg1, %dma_start3A_918, %dma_start3A_923, %dma_start3A_924] : memref<16x2x128x128xf32, #tpu.memory_space<vmem_shared>> -> memref<1x1x128x128xf32, #tpu.memory_space<vmem_shared>>
      %dma_start3A_926 = tpu.memref_squeeze %dma_start3A_925 : memref<1x1x128x128xf32, #tpu.memory_space<vmem_shared>> -> memref<128x128xf32, #tpu.memory_space<vmem_shared>>
      %dma_start3A_927 = arith.constant 0 : i32
      %dma_start3A_928 = arith.constant 0 : i32
      %dma_start3A_929 = tpu.memref_slice %arg7[%arg1, %dma_start3A_918, %dma_start3A_927, %dma_start3A_928] : memref<16x2x128x128xf32, #tpu.memory_space<vmem_shared>> -> memref<1x1x128x128xf32, #tpu.memory_space<vmem_shared>>
      %dma_start3A_930 = tpu.memref_squeeze %dma_start3A_929 : memref<1x1x128x128xf32, #tpu.memory_space<vmem_shared>> -> memref<128x128xf32, #tpu.memory_space<vmem_shared>>
      %dma_start3A_931 = arith.constant 0 : i32
      %dma_start3A_932 = arith.constant 0 : i32
      %dma_start3A_933 = tpu.memref_slice %arg6[%dma_start3A_917, %dma_start3A_931, %dma_start3A_932] : memref<4x128x128xf32, #tpu.memory_space<vmem>> -> memref<1x128x128xf32, #tpu.memory_space<vmem>>
      %dma_start3A_934 = tpu.memref_squeeze %dma_start3A_933 : memref<1x128x128xf32, #tpu.memory_space<vmem>> -> memref<128x128xf32, #tpu.memory_space<vmem>>
      tpu.enqueue_dma source(%dma_start3A_934 : memref<128x128xf32, #tpu.memory_space<vmem>>) target(%dma_start3A_930 : memref<128x128xf32, #tpu.memory_space<vmem_shared>>) target_semaphore(%arg15 : memref<!tpu.dma_semaphore, #tpu.memory_space<semaphore_mem>>)
      %dma_wait3A_935 = arith.constant 3 : i32
      %dma_wait3A_936 = arith.constant 1 : i32
      %dma_wait3A_937 = arith.constant 0 : i32
      %dma_wait3A_938 = arith.constant 0 : i32
      %dma_wait3A_939 = tpu.memref_slice %arg6[%dma_wait3A_935, %dma_wait3A_937, %dma_wait3A_938] : memref<4x128x128xf32, #tpu.memory_space<vmem>> -> memref<1x128x128xf32, #tpu.memory_space<vmem>>
      %dma_wait3A_940 = tpu.memref_squeeze %dma_wait3A_939 : memref<1x128x128xf32, #tpu.memory_space<vmem>> -> memref<128x128xf32, #tpu.memory_space<vmem>>
      %dma_wait3A_941 = arith.constant 0 : i32
      %dma_wait3A_942 = arith.constant 0 : i32
      %dma_wait3A_943 = tpu.memref_slice %arg7[%arg1, %dma_wait3A_936, %dma_wait3A_941, %dma_wait3A_942] : memref<16x2x128x128xf32, #tpu.memory_space<vmem_shared>> -> memref<1x1x128x128xf32, #tpu.memory_space<vmem_shared>>
      %dma_wait3A_944 = tpu.memref_squeeze %dma_wait3A_943 : memref<1x1x128x128xf32, #tpu.memory_space<vmem_shared>> -> memref<128x128xf32, #tpu.memory_space<vmem_shared>>
      %dma_wait3A_945 = arith.constant 0 : i32
      %dma_wait3A_946 = arith.constant 0 : i32
      %dma_wait3A_947 = tpu.memref_slice %arg7[%arg1, %dma_wait3A_936, %dma_wait3A_945, %dma_wait3A_946] : memref<16x2x128x128xf32, #tpu.memory_space<vmem_shared>> -> memref<1x1x128x128xf32, #tpu.memory_space<vmem_shared>>
      %dma_wait3A_948 = tpu.memref_squeeze %dma_wait3A_947 : memref<1x1x128x128xf32, #tpu.memory_space<vmem_shared>> -> memref<128x128xf32, #tpu.memory_space<vmem_shared>>
      %dma_wait3A_949 = arith.constant 0 : i32
      %dma_wait3A_950 = arith.constant 0 : i32
      %dma_wait3A_951 = tpu.memref_slice %arg6[%dma_wait3A_935, %dma_wait3A_949, %dma_wait3A_950] : memref<4x128x128xf32, #tpu.memory_space<vmem>> -> memref<1x128x128xf32, #tpu.memory_space<vmem>>
      %dma_wait3A_952 = tpu.memref_squeeze %dma_wait3A_951 : memref<1x128x128xf32, #tpu.memory_space<vmem>> -> memref<128x128xf32, #tpu.memory_space<vmem>>
      tpu.wait_dma2 semaphore(%arg15 : memref<!tpu.dma_semaphore, #tpu.memory_space<semaphore_mem>>) src(%dma_wait3A_952 : memref<128x128xf32, #tpu.memory_space<vmem>>) dst(%dma_wait3A_948 : memref<128x128xf32, #tpu.memory_space<vmem_shared>>)
      %add3A_953 = arith.constant 2 : i32
      %add3A_954 = arith.addi %add3A_893, %add3A_953 : i32
      %dma_start3A_955 = arith.constant 1 : i32
      %dma_start3A_956 = arith.constant 0 : i32
      %dma_start3A_957 = arith.constant 0 : i32
      %dma_start3A_958 = tpu.memref_slice %arg6[%dma_start3A_955, %dma_start3A_956, %dma_start3A_957] : memref<4x128x128xf32, #tpu.memory_space<vmem>> -> memref<1x128x128xf32, #tpu.memory_space<vmem>>
      %dma_start3A_959 = tpu.memref_squeeze %dma_start3A_958 : memref<1x128x128xf32, #tpu.memory_space<vmem>> -> memref<128x128xf32, #tpu.memory_space<vmem>>
      %dma_start3A_960 = arith.constant 0 : i32
      %dma_start3A_961 = tpu.memref_slice %arg5[%add3A_954, %dma_start3A_960] : memref<200x128xi32, #tpu.memory_space<vmem>> -> memref<1x128xi32, #tpu.memory_space<vmem>>
      %dma_start3A_962 = tpu.memref_squeeze %dma_start3A_961 : memref<1x128xi32, #tpu.memory_space<vmem>> -> memref<128xi32, #tpu.memory_space<vmem>>
      %dma_start3A_963 = arith.constant 0 : i32
      %dma_start3A_964 = arith.constant 0 : i32
      %dma_start3A_965 = tpu.memref_slice %arg3[%dma_start3A_963, %dma_start3A_964] : memref<100000x128xf32, #tpu.memory_space<hbm>> -> memref<100000x128xf32, #tpu.memory_space<hbm>>
      tpu.enqueue_indirect_dma source(%dma_start3A_965 : memref<100000x128xf32, #tpu.memory_space<hbm>>) target(%dma_start3A_959 : memref<128x128xf32, #tpu.memory_space<vmem>>) offsets(%dma_start3A_962 : memref<128xi32, #tpu.memory_space<vmem>>) semaphore(%arg9 : memref<!tpu.dma_semaphore, #tpu.memory_space<semaphore_mem>>)
      %mul3A_966 = arith.constant 128 : i32
      %mul3A_967 = arith.muli %add3A_893, %mul3A_966 : i32
      %add3A_968 = arith.addi %mul3A_4, %mul3A_967 : i32
      %dma_start3A_969 = arith.constant 1 : i32
      %dma_start3A_970 = arith.constant 0 : i32
      %dma_start3A_971 = tpu.memref_slice %arg4[%add3A_968, %dma_start3A_970] : memref<819200x128xf32, #tpu.memory_space<hbm>> -> memref<128x128xf32, #tpu.memory_space<hbm>>
      %dma_start3A_972 = arith.constant 0 : i32
      %dma_start3A_973 = arith.constant 0 : i32
      %dma_start3A_974 = tpu.memref_slice %arg7[%arg1, %dma_start3A_969, %dma_start3A_972, %dma_start3A_973] : memref<16x2x128x128xf32, #tpu.memory_space<vmem_shared>> -> memref<1x1x128x128xf32, #tpu.memory_space<vmem_shared>>
      %dma_start3A_975 = tpu.memref_squeeze %dma_start3A_974 : memref<1x1x128x128xf32, #tpu.memory_space<vmem_shared>> -> memref<128x128xf32, #tpu.memory_space<vmem_shared>>
      tpu.enqueue_dma source(%dma_start3A_975 : memref<128x128xf32, #tpu.memory_space<vmem_shared>>) target(%dma_start3A_971 : memref<128x128xf32, #tpu.memory_space<hbm>>) target_semaphore(%arg17 : memref<!tpu.dma_semaphore, #tpu.memory_space<semaphore_mem>>)
    }
    %scan3A_325 = arith.constant 48 : i32
    %dma_wait3A_326 = arith.constant 196 : i32
    %dma_wait3A_327 = arith.constant 0 : i32
    %dma_wait3A_328 = arith.constant 0 : i32
    %dma_wait3A_329 = arith.constant 0 : i32
    %dma_wait3A_330 = tpu.memref_slice %arg6[%dma_wait3A_327, %dma_wait3A_328, %dma_wait3A_329] : memref<4x128x128xf32, #tpu.memory_space<vmem>> -> memref<1x128x128xf32, #tpu.memory_space<vmem>>
    %dma_wait3A_331 = tpu.memref_squeeze %dma_wait3A_330 : memref<1x128x128xf32, #tpu.memory_space<vmem>> -> memref<128x128xf32, #tpu.memory_space<vmem>>
    %dma_wait3A_332 = arith.constant 0 : i32
    %dma_wait3A_333 = tpu.memref_slice %arg5[%dma_wait3A_326, %dma_wait3A_332] : memref<200x128xi32, #tpu.memory_space<vmem>> -> memref<1x128xi32, #tpu.memory_space<vmem>>
    %dma_wait3A_334 = tpu.memref_squeeze %dma_wait3A_333 : memref<1x128xi32, #tpu.memory_space<vmem>> -> memref<128xi32, #tpu.memory_space<vmem>>
    %dma_wait3A_335 = arith.constant 0 : i32
    %dma_wait3A_336 = arith.constant 0 : i32
    %dma_wait3A_337 = tpu.memref_slice %arg3[%dma_wait3A_335, %dma_wait3A_336] : memref<100000x128xf32, #tpu.memory_space<hbm>> -> memref<100000x128xf32, #tpu.memory_space<hbm>>
    tpu.wait_indirect_dma semaphore(%arg8 : memref<!tpu.dma_semaphore, #tpu.memory_space<semaphore_mem>>) src(%dma_wait3A_337 : memref<100000x128xf32, #tpu.memory_space<hbm>>) dst(%dma_wait3A_331 : memref<128x128xf32, #tpu.memory_space<vmem>>)
    %add3A_338 = arith.constant 24832 : i32
    %add3A_339 = arith.addi %mul3A_4, %add3A_338 : i32
    %dma_wait3A_340 = arith.constant 0 : i32
    %dma_wait3A_341 = arith.constant 0 : i32
    %dma_wait3A_342 = tpu.memref_slice %arg4[%add3A_339, %dma_wait3A_341] : memref<819200x128xf32, #tpu.memory_space<hbm>> -> memref<128x128xf32, #tpu.memory_space<hbm>>
    %dma_wait3A_343 = arith.constant 0 : i32
    %dma_wait3A_344 = arith.constant 0 : i32
    %dma_wait3A_345 = tpu.memref_slice %arg7[%arg1, %dma_wait3A_340, %dma_wait3A_343, %dma_wait3A_344] : memref<16x2x128x128xf32, #tpu.memory_space<vmem_shared>> -> memref<1x1x128x128xf32, #tpu.memory_space<vmem_shared>>
    %dma_wait3A_346 = tpu.memref_squeeze %dma_wait3A_345 : memref<1x1x128x128xf32, #tpu.memory_space<vmem_shared>> -> memref<128x128xf32, #tpu.memory_space<vmem_shared>>
    tpu.wait_dma2 semaphore(%arg16 : memref<!tpu.dma_semaphore, #tpu.memory_space<semaphore_mem>>) src(%dma_wait3A_346 : memref<128x128xf32, #tpu.memory_space<vmem_shared>>) dst(%dma_wait3A_342 : memref<128x128xf32, #tpu.memory_space<hbm>>)
    %dma_start3A_347 = arith.constant 0 : i32
    %dma_start3A_348 = arith.constant 0 : i32
    %dma_start3A_349 = arith.constant 0 : i32
    %dma_start3A_350 = arith.constant 0 : i32
    %dma_start3A_351 = tpu.memref_slice %arg6[%dma_start3A_347, %dma_start3A_349, %dma_start3A_350] : memref<4x128x128xf32, #tpu.memory_space<vmem>> -> memref<1x128x128xf32, #tpu.memory_space<vmem>>
    %dma_start3A_352 = tpu.memref_squeeze %dma_start3A_351 : memref<1x128x128xf32, #tpu.memory_space<vmem>> -> memref<128x128xf32, #tpu.memory_space<vmem>>
    %dma_start3A_353 = arith.constant 0 : i32
    %dma_start3A_354 = arith.constant 0 : i32
    %dma_start3A_355 = tpu.memref_slice %arg7[%arg1, %dma_start3A_348, %dma_start3A_353, %dma_start3A_354] : memref<16x2x128x128xf32, #tpu.memory_space<vmem_shared>> -> memref<1x1x128x128xf32, #tpu.memory_space<vmem_shared>>
    %dma_start3A_356 = tpu.memref_squeeze %dma_start3A_355 : memref<1x1x128x128xf32, #tpu.memory_space<vmem_shared>> -> memref<128x128xf32, #tpu.memory_space<vmem_shared>>
    %dma_start3A_357 = arith.constant 0 : i32
    %dma_start3A_358 = arith.constant 0 : i32
    %dma_start3A_359 = tpu.memref_slice %arg7[%arg1, %dma_start3A_348, %dma_start3A_357, %dma_start3A_358] : memref<16x2x128x128xf32, #tpu.memory_space<vmem_shared>> -> memref<1x1x128x128xf32, #tpu.memory_space<vmem_shared>>
    %dma_start3A_360 = tpu.memref_squeeze %dma_start3A_359 : memref<1x1x128x128xf32, #tpu.memory_space<vmem_shared>> -> memref<128x128xf32, #tpu.memory_space<vmem_shared>>
    %dma_start3A_361 = arith.constant 0 : i32
    %dma_start3A_362 = arith.constant 0 : i32
    %dma_start3A_363 = tpu.memref_slice %arg6[%dma_start3A_347, %dma_start3A_361, %dma_start3A_362] : memref<4x128x128xf32, #tpu.memory_space<vmem>> -> memref<1x128x128xf32, #tpu.memory_space<vmem>>
    %dma_start3A_364 = tpu.memref_squeeze %dma_start3A_363 : memref<1x128x128xf32, #tpu.memory_space<vmem>> -> memref<128x128xf32, #tpu.memory_space<vmem>>
    tpu.enqueue_dma source(%dma_start3A_364 : memref<128x128xf32, #tpu.memory_space<vmem>>) target(%dma_start3A_360 : memref<128x128xf32, #tpu.memory_space<vmem_shared>>) target_semaphore(%arg12 : memref<!tpu.dma_semaphore, #tpu.memory_space<semaphore_mem>>)
    %dma_wait3A_365 = arith.constant 0 : i32
    %dma_wait3A_366 = arith.constant 0 : i32
    %dma_wait3A_367 = arith.constant 0 : i32
    %dma_wait3A_368 = arith.constant 0 : i32
    %dma_wait3A_369 = tpu.memref_slice %arg6[%dma_wait3A_365, %dma_wait3A_367, %dma_wait3A_368] : memref<4x128x128xf32, #tpu.memory_space<vmem>> -> memref<1x128x128xf32, #tpu.memory_space<vmem>>
    %dma_wait3A_370 = tpu.memref_squeeze %dma_wait3A_369 : memref<1x128x128xf32, #tpu.memory_space<vmem>> -> memref<128x128xf32, #tpu.memory_space<vmem>>
    %dma_wait3A_371 = arith.constant 0 : i32
    %dma_wait3A_372 = arith.constant 0 : i32
    %dma_wait3A_373 = tpu.memref_slice %arg7[%arg1, %dma_wait3A_366, %dma_wait3A_371, %dma_wait3A_372] : memref<16x2x128x128xf32, #tpu.memory_space<vmem_shared>> -> memref<1x1x128x128xf32, #tpu.memory_space<vmem_shared>>
    %dma_wait3A_374 = tpu.memref_squeeze %dma_wait3A_373 : memref<1x1x128x128xf32, #tpu.memory_space<vmem_shared>> -> memref<128x128xf32, #tpu.memory_space<vmem_shared>>
    %dma_wait3A_375 = arith.constant 0 : i32
    %dma_wait3A_376 = arith.constant 0 : i32
    %dma_wait3A_377 = tpu.memref_slice %arg7[%arg1, %dma_wait3A_366, %dma_wait3A_375, %dma_wait3A_376] : memref<16x2x128x128xf32, #tpu.memory_space<vmem_shared>> -> memref<1x1x128x128xf32, #tpu.memory_space<vmem_shared>>
    %dma_wait3A_378 = tpu.memref_squeeze %dma_wait3A_377 : memref<1x1x128x128xf32, #tpu.memory_space<vmem_shared>> -> memref<128x128xf32, #tpu.memory_space<vmem_shared>>
    %dma_wait3A_379 = arith.constant 0 : i32
    %dma_wait3A_380 = arith.constant 0 : i32
    %dma_wait3A_381 = tpu.memref_slice %arg6[%dma_wait3A_365, %dma_wait3A_379, %dma_wait3A_380] : memref<4x128x128xf32, #tpu.memory_space<vmem>> -> memref<1x128x128xf32, #tpu.memory_space<vmem>>
    %dma_wait3A_382 = tpu.memref_squeeze %dma_wait3A_381 : memref<1x128x128xf32, #tpu.memory_space<vmem>> -> memref<128x128xf32, #tpu.memory_space<vmem>>
    tpu.wait_dma2 semaphore(%arg12 : memref<!tpu.dma_semaphore, #tpu.memory_space<semaphore_mem>>) src(%dma_wait3A_382 : memref<128x128xf32, #tpu.memory_space<vmem>>) dst(%dma_wait3A_378 : memref<128x128xf32, #tpu.memory_space<vmem_shared>>)
    %dma_start3A_383 = arith.constant 198 : i32
    %dma_start3A_384 = arith.constant 2 : i32
    %dma_start3A_385 = arith.constant 0 : i32
    %dma_start3A_386 = arith.constant 0 : i32
    %dma_start3A_387 = tpu.memref_slice %arg6[%dma_start3A_384, %dma_start3A_385, %dma_start3A_386] : memref<4x128x128xf32, #tpu.memory_space<vmem>> -> memref<1x128x128xf32, #tpu.memory_space<vmem>>
    %dma_start3A_388 = tpu.memref_squeeze %dma_start3A_387 : memref<1x128x128xf32, #tpu.memory_space<vmem>> -> memref<128x128xf32, #tpu.memory_space<vmem>>
    %dma_start3A_389 = arith.constant 0 : i32
    %dma_start3A_390 = tpu.memref_slice %arg5[%dma_start3A_383, %dma_start3A_389] : memref<200x128xi32, #tpu.memory_space<vmem>> -> memref<1x128xi32, #tpu.memory_space<vmem>>
    %dma_start3A_391 = tpu.memref_squeeze %dma_start3A_390 : memref<1x128xi32, #tpu.memory_space<vmem>> -> memref<128xi32, #tpu.memory_space<vmem>>
    %dma_start3A_392 = arith.constant 0 : i32
    %dma_start3A_393 = arith.constant 0 : i32
    %dma_start3A_394 = tpu.memref_slice %arg3[%dma_start3A_392, %dma_start3A_393] : memref<100000x128xf32, #tpu.memory_space<hbm>> -> memref<100000x128xf32, #tpu.memory_space<hbm>>
    tpu.enqueue_indirect_dma source(%dma_start3A_394 : memref<100000x128xf32, #tpu.memory_space<hbm>>) target(%dma_start3A_388 : memref<128x128xf32, #tpu.memory_space<vmem>>) offsets(%dma_start3A_391 : memref<128xi32, #tpu.memory_space<vmem>>) semaphore(%arg10 : memref<!tpu.dma_semaphore, #tpu.memory_space<semaphore_mem>>)
    %add3A_395 = arith.constant 25088 : i32
    %add3A_396 = arith.addi %mul3A_4, %add3A_395 : i32
    %dma_start3A_397 = arith.constant 0 : i32
    %dma_start3A_398 = arith.constant 0 : i32
    %dma_start3A_399 = tpu.memref_slice %arg4[%add3A_396, %dma_start3A_398] : memref<819200x128xf32, #tpu.memory_space<hbm>> -> memref<128x128xf32, #tpu.memory_space<hbm>>
    %dma_start3A_400 = arith.constant 0 : i32
    %dma_start3A_401 = arith.constant 0 : i32
    %dma_start3A_402 = tpu.memref_slice %arg7[%arg1, %dma_start3A_397, %dma_start3A_400, %dma_start3A_401] : memref<16x2x128x128xf32, #tpu.memory_space<vmem_shared>> -> memref<1x1x128x128xf32, #tpu.memory_space<vmem_shared>>
    %dma_start3A_403 = tpu.memref_squeeze %dma_start3A_402 : memref<1x1x128x128xf32, #tpu.memory_space<vmem_shared>> -> memref<128x128xf32, #tpu.memory_space<vmem_shared>>
    tpu.enqueue_dma source(%dma_start3A_403 : memref<128x128xf32, #tpu.memory_space<vmem_shared>>) target(%dma_start3A_399 : memref<128x128xf32, #tpu.memory_space<hbm>>) target_semaphore(%arg16 : memref<!tpu.dma_semaphore, #tpu.memory_space<semaphore_mem>>)
    %dma_wait3A_404 = arith.constant 197 : i32
    %dma_wait3A_405 = arith.constant 1 : i32
    %dma_wait3A_406 = arith.constant 0 : i32
    %dma_wait3A_407 = arith.constant 0 : i32
    %dma_wait3A_408 = tpu.memref_slice %arg6[%dma_wait3A_405, %dma_wait3A_406, %dma_wait3A_407] : memref<4x128x128xf32, #tpu.memory_space<vmem>> -> memref<1x128x128xf32, #tpu.memory_space<vmem>>
    %dma_wait3A_409 = tpu.memref_squeeze %dma_wait3A_408 : memref<1x128x128xf32, #tpu.memory_space<vmem>> -> memref<128x128xf32, #tpu.memory_space<vmem>>
    %dma_wait3A_410 = arith.constant 0 : i32
    %dma_wait3A_411 = tpu.memref_slice %arg5[%dma_wait3A_404, %dma_wait3A_410] : memref<200x128xi32, #tpu.memory_space<vmem>> -> memref<1x128xi32, #tpu.memory_space<vmem>>
    %dma_wait3A_412 = tpu.memref_squeeze %dma_wait3A_411 : memref<1x128xi32, #tpu.memory_space<vmem>> -> memref<128xi32, #tpu.memory_space<vmem>>
    %dma_wait3A_413 = arith.constant 0 : i32
    %dma_wait3A_414 = arith.constant 0 : i32
    %dma_wait3A_415 = tpu.memref_slice %arg3[%dma_wait3A_413, %dma_wait3A_414] : memref<100000x128xf32, #tpu.memory_space<hbm>> -> memref<100000x128xf32, #tpu.memory_space<hbm>>
    tpu.wait_indirect_dma semaphore(%arg9 : memref<!tpu.dma_semaphore, #tpu.memory_space<semaphore_mem>>) src(%dma_wait3A_415 : memref<100000x128xf32, #tpu.memory_space<hbm>>) dst(%dma_wait3A_409 : memref<128x128xf32, #tpu.memory_space<vmem>>)
    %add3A_416 = arith.constant 24960 : i32
    %add3A_417 = arith.addi %mul3A_4, %add3A_416 : i32
    %dma_wait3A_418 = arith.constant 1 : i32
    %dma_wait3A_419 = arith.constant 0 : i32
    %dma_wait3A_420 = tpu.memref_slice %arg4[%add3A_417, %dma_wait3A_419] : memref<819200x128xf32, #tpu.memory_space<hbm>> -> memref<128x128xf32, #tpu.memory_space<hbm>>
    %dma_wait3A_421 = arith.constant 0 : i32
    %dma_wait3A_422 = arith.constant 0 : i32
    %dma_wait3A_423 = tpu.memref_slice %arg7[%arg1, %dma_wait3A_418, %dma_wait3A_421, %dma_wait3A_422] : memref<16x2x128x128xf32, #tpu.memory_space<vmem_shared>> -> memref<1x1x128x128xf32, #tpu.memory_space<vmem_shared>>
    %dma_wait3A_424 = tpu.memref_squeeze %dma_wait3A_423 : memref<1x1x128x128xf32, #tpu.memory_space<vmem_shared>> -> memref<128x128xf32, #tpu.memory_space<vmem_shared>>
    tpu.wait_dma2 semaphore(%arg17 : memref<!tpu.dma_semaphore, #tpu.memory_space<semaphore_mem>>) src(%dma_wait3A_424 : memref<128x128xf32, #tpu.memory_space<vmem_shared>>) dst(%dma_wait3A_420 : memref<128x128xf32, #tpu.memory_space<hbm>>)
    %dma_start3A_425 = arith.constant 1 : i32
    %dma_start3A_426 = arith.constant 1 : i32
    %dma_start3A_427 = arith.constant 0 : i32
    %dma_start3A_428 = arith.constant 0 : i32
    %dma_start3A_429 = tpu.memref_slice %arg6[%dma_start3A_425, %dma_start3A_427, %dma_start3A_428] : memref<4x128x128xf32, #tpu.memory_space<vmem>> -> memref<1x128x128xf32, #tpu.memory_space<vmem>>
    %dma_start3A_430 = tpu.memref_squeeze %dma_start3A_429 : memref<1x128x128xf32, #tpu.memory_space<vmem>> -> memref<128x128xf32, #tpu.memory_space<vmem>>
    %dma_start3A_431 = arith.constant 0 : i32
    %dma_start3A_432 = arith.constant 0 : i32
    %dma_start3A_433 = tpu.memref_slice %arg7[%arg1, %dma_start3A_426, %dma_start3A_431, %dma_start3A_432] : memref<16x2x128x128xf32, #tpu.memory_space<vmem_shared>> -> memref<1x1x128x128xf32, #tpu.memory_space<vmem_shared>>
    %dma_start3A_434 = tpu.memref_squeeze %dma_start3A_433 : memref<1x1x128x128xf32, #tpu.memory_space<vmem_shared>> -> memref<128x128xf32, #tpu.memory_space<vmem_shared>>
    %dma_start3A_435 = arith.constant 0 : i32
    %dma_start3A_436 = arith.constant 0 : i32
    %dma_start3A_437 = tpu.memref_slice %arg7[%arg1, %dma_start3A_426, %dma_start3A_435, %dma_start3A_436] : memref<16x2x128x128xf32, #tpu.memory_space<vmem_shared>> -> memref<1x1x128x128xf32, #tpu.memory_space<vmem_shared>>
    %dma_start3A_438 = tpu.memref_squeeze %dma_start3A_437 : memref<1x1x128x128xf32, #tpu.memory_space<vmem_shared>> -> memref<128x128xf32, #tpu.memory_space<vmem_shared>>
    %dma_start3A_439 = arith.constant 0 : i32
    %dma_start3A_440 = arith.constant 0 : i32
    %dma_start3A_441 = tpu.memref_slice %arg6[%dma_start3A_425, %dma_start3A_439, %dma_start3A_440] : memref<4x128x128xf32, #tpu.memory_space<vmem>> -> memref<1x128x128xf32, #tpu.memory_space<vmem>>
    %dma_start3A_442 = tpu.memref_squeeze %dma_start3A_441 : memref<1x128x128xf32, #tpu.memory_space<vmem>> -> memref<128x128xf32, #tpu.memory_space<vmem>>
    tpu.enqueue_dma source(%dma_start3A_442 : memref<128x128xf32, #tpu.memory_space<vmem>>) target(%dma_start3A_438 : memref<128x128xf32, #tpu.memory_space<vmem_shared>>) target_semaphore(%arg13 : memref<!tpu.dma_semaphore, #tpu.memory_space<semaphore_mem>>)
    %dma_wait3A_443 = arith.constant 1 : i32
    %dma_wait3A_444 = arith.constant 1 : i32
    %dma_wait3A_445 = arith.constant 0 : i32
    %dma_wait3A_446 = arith.constant 0 : i32
    %dma_wait3A_447 = tpu.memref_slice %arg6[%dma_wait3A_443, %dma_wait3A_445, %dma_wait3A_446] : memref<4x128x128xf32, #tpu.memory_space<vmem>> -> memref<1x128x128xf32, #tpu.memory_space<vmem>>
    %dma_wait3A_448 = tpu.memref_squeeze %dma_wait3A_447 : memref<1x128x128xf32, #tpu.memory_space<vmem>> -> memref<128x128xf32, #tpu.memory_space<vmem>>
    %dma_wait3A_449 = arith.constant 0 : i32
    %dma_wait3A_450 = arith.constant 0 : i32
    %dma_wait3A_451 = tpu.memref_slice %arg7[%arg1, %dma_wait3A_444, %dma_wait3A_449, %dma_wait3A_450] : memref<16x2x128x128xf32, #tpu.memory_space<vmem_shared>> -> memref<1x1x128x128xf32, #tpu.memory_space<vmem_shared>>
    %dma_wait3A_452 = tpu.memref_squeeze %dma_wait3A_451 : memref<1x1x128x128xf32, #tpu.memory_space<vmem_shared>> -> memref<128x128xf32, #tpu.memory_space<vmem_shared>>
    %dma_wait3A_453 = arith.constant 0 : i32
    %dma_wait3A_454 = arith.constant 0 : i32
    %dma_wait3A_455 = tpu.memref_slice %arg7[%arg1, %dma_wait3A_444, %dma_wait3A_453, %dma_wait3A_454] : memref<16x2x128x128xf32, #tpu.memory_space<vmem_shared>> -> memref<1x1x128x128xf32, #tpu.memory_space<vmem_shared>>
    %dma_wait3A_456 = tpu.memref_squeeze %dma_wait3A_455 : memref<1x1x128x128xf32, #tpu.memory_space<vmem_shared>> -> memref<128x128xf32, #tpu.memory_space<vmem_shared>>
    %dma_wait3A_457 = arith.constant 0 : i32
    %dma_wait3A_458 = arith.constant 0 : i32
    %dma_wait3A_459 = tpu.memref_slice %arg6[%dma_wait3A_443, %dma_wait3A_457, %dma_wait3A_458] : memref<4x128x128xf32, #tpu.memory_space<vmem>> -> memref<1x128x128xf32, #tpu.memory_space<vmem>>
    %dma_wait3A_460 = tpu.memref_squeeze %dma_wait3A_459 : memref<1x128x128xf32, #tpu.memory_space<vmem>> -> memref<128x128xf32, #tpu.memory_space<vmem>>
    tpu.wait_dma2 semaphore(%arg13 : memref<!tpu.dma_semaphore, #tpu.memory_space<semaphore_mem>>) src(%dma_wait3A_460 : memref<128x128xf32, #tpu.memory_space<vmem>>) dst(%dma_wait3A_456 : memref<128x128xf32, #tpu.memory_space<vmem_shared>>)
    %dma_start3A_461 = arith.constant 199 : i32
    %dma_start3A_462 = arith.constant 3 : i32
    %dma_start3A_463 = arith.constant 0 : i32
    %dma_start3A_464 = arith.constant 0 : i32
    %dma_start3A_465 = tpu.memref_slice %arg6[%dma_start3A_462, %dma_start3A_463, %dma_start3A_464] : memref<4x128x128xf32, #tpu.memory_space<vmem>> -> memref<1x128x128xf32, #tpu.memory_space<vmem>>
    %dma_start3A_466 = tpu.memref_squeeze %dma_start3A_465 : memref<1x128x128xf32, #tpu.memory_space<vmem>> -> memref<128x128xf32, #tpu.memory_space<vmem>>
    %dma_start3A_467 = arith.constant 0 : i32
    %dma_start3A_468 = tpu.memref_slice %arg5[%dma_start3A_461, %dma_start3A_467] : memref<200x128xi32, #tpu.memory_space<vmem>> -> memref<1x128xi32, #tpu.memory_space<vmem>>
    %dma_start3A_469 = tpu.memref_squeeze %dma_start3A_468 : memref<1x128xi32, #tpu.memory_space<vmem>> -> memref<128xi32, #tpu.memory_space<vmem>>
    %dma_start3A_470 = arith.constant 0 : i32
    %dma_start3A_471 = arith.constant 0 : i32
    %dma_start3A_472 = tpu.memref_slice %arg3[%dma_start3A_470, %dma_start3A_471] : memref<100000x128xf32, #tpu.memory_space<hbm>> -> memref<100000x128xf32, #tpu.memory_space<hbm>>
    tpu.enqueue_indirect_dma source(%dma_start3A_472 : memref<100000x128xf32, #tpu.memory_space<hbm>>) target(%dma_start3A_466 : memref<128x128xf32, #tpu.memory_space<vmem>>) offsets(%dma_start3A_469 : memref<128xi32, #tpu.memory_space<vmem>>) semaphore(%arg11 : memref<!tpu.dma_semaphore, #tpu.memory_space<semaphore_mem>>)
    %add3A_473 = arith.constant 25216 : i32
    %add3A_474 = arith.addi %mul3A_4, %add3A_473 : i32
    %dma_start3A_475 = arith.constant 1 : i32
    %dma_start3A_476 = arith.constant 0 : i32
    %dma_start3A_477 = tpu.memref_slice %arg4[%add3A_474, %dma_start3A_476] : memref<819200x128xf32, #tpu.memory_space<hbm>> -> memref<128x128xf32, #tpu.memory_space<hbm>>
    %dma_start3A_478 = arith.constant 0 : i32
    %dma_start3A_479 = arith.constant 0 : i32
    %dma_start3A_480 = tpu.memref_slice %arg7[%arg1, %dma_start3A_475, %dma_start3A_478, %dma_start3A_479] : memref<16x2x128x128xf32, #tpu.memory_space<vmem_shared>> -> memref<1x1x128x128xf32, #tpu.memory_space<vmem_shared>>
    %dma_start3A_481 = tpu.memref_squeeze %dma_start3A_480 : memref<1x1x128x128xf32, #tpu.memory_space<vmem_shared>> -> memref<128x128xf32, #tpu.memory_space<vmem_shared>>
    tpu.enqueue_dma source(%dma_start3A_481 : memref<128x128xf32, #tpu.memory_space<vmem_shared>>) target(%dma_start3A_477 : memref<128x128xf32, #tpu.memory_space<hbm>>) target_semaphore(%arg17 : memref<!tpu.dma_semaphore, #tpu.memory_space<semaphore_mem>>)
    %dma_wait3A_482 = arith.constant 198 : i32
    %dma_wait3A_483 = arith.constant 2 : i32
    %dma_wait3A_484 = arith.constant 0 : i32
    %dma_wait3A_485 = arith.constant 0 : i32
    %dma_wait3A_486 = tpu.memref_slice %arg6[%dma_wait3A_483, %dma_wait3A_484, %dma_wait3A_485] : memref<4x128x128xf32, #tpu.memory_space<vmem>> -> memref<1x128x128xf32, #tpu.memory_space<vmem>>
    %dma_wait3A_487 = tpu.memref_squeeze %dma_wait3A_486 : memref<1x128x128xf32, #tpu.memory_space<vmem>> -> memref<128x128xf32, #tpu.memory_space<vmem>>
    %dma_wait3A_488 = arith.constant 0 : i32
    %dma_wait3A_489 = tpu.memref_slice %arg5[%dma_wait3A_482, %dma_wait3A_488] : memref<200x128xi32, #tpu.memory_space<vmem>> -> memref<1x128xi32, #tpu.memory_space<vmem>>
    %dma_wait3A_490 = tpu.memref_squeeze %dma_wait3A_489 : memref<1x128xi32, #tpu.memory_space<vmem>> -> memref<128xi32, #tpu.memory_space<vmem>>
    %dma_wait3A_491 = arith.constant 0 : i32
    %dma_wait3A_492 = arith.constant 0 : i32
    %dma_wait3A_493 = tpu.memref_slice %arg3[%dma_wait3A_491, %dma_wait3A_492] : memref<100000x128xf32, #tpu.memory_space<hbm>> -> memref<100000x128xf32, #tpu.memory_space<hbm>>
    tpu.wait_indirect_dma semaphore(%arg10 : memref<!tpu.dma_semaphore, #tpu.memory_space<semaphore_mem>>) src(%dma_wait3A_493 : memref<100000x128xf32, #tpu.memory_space<hbm>>) dst(%dma_wait3A_487 : memref<128x128xf32, #tpu.memory_space<vmem>>)
    %add3A_494 = arith.constant 25088 : i32
    %add3A_495 = arith.addi %mul3A_4, %add3A_494 : i32
    %dma_wait3A_496 = arith.constant 0 : i32
    %dma_wait3A_497 = arith.constant 0 : i32
    %dma_wait3A_498 = tpu.memref_slice %arg4[%add3A_495, %dma_wait3A_497] : memref<819200x128xf32, #tpu.memory_space<hbm>> -> memref<128x128xf32, #tpu.memory_space<hbm>>
    %dma_wait3A_499 = arith.constant 0 : i32
    %dma_wait3A_500 = arith.constant 0 : i32
    %dma_wait3A_501 = tpu.memref_slice %arg7[%arg1, %dma_wait3A_496, %dma_wait3A_499, %dma_wait3A_500] : memref<16x2x128x128xf32, #tpu.memory_space<vmem_shared>> -> memref<1x1x128x128xf32, #tpu.memory_space<vmem_shared>>
    %dma_wait3A_502 = tpu.memref_squeeze %dma_wait3A_501 : memref<1x1x128x128xf32, #tpu.memory_space<vmem_shared>> -> memref<128x128xf32, #tpu.memory_space<vmem_shared>>
    tpu.wait_dma2 semaphore(%arg16 : memref<!tpu.dma_semaphore, #tpu.memory_space<semaphore_mem>>) src(%dma_wait3A_502 : memref<128x128xf32, #tpu.memory_space<vmem_shared>>) dst(%dma_wait3A_498 : memref<128x128xf32, #tpu.memory_space<hbm>>)
    %dma_start3A_503 = arith.constant 2 : i32
    %dma_start3A_504 = arith.constant 0 : i32
    %dma_start3A_505 = arith.constant 0 : i32
    %dma_start3A_506 = arith.constant 0 : i32
    %dma_start3A_507 = tpu.memref_slice %arg6[%dma_start3A_503, %dma_start3A_505, %dma_start3A_506] : memref<4x128x128xf32, #tpu.memory_space<vmem>> -> memref<1x128x128xf32, #tpu.memory_space<vmem>>
    %dma_start3A_508 = tpu.memref_squeeze %dma_start3A_507 : memref<1x128x128xf32, #tpu.memory_space<vmem>> -> memref<128x128xf32, #tpu.memory_space<vmem>>
    %dma_start3A_509 = arith.constant 0 : i32
    %dma_start3A_510 = arith.constant 0 : i32
    %dma_start3A_511 = tpu.memref_slice %arg7[%arg1, %dma_start3A_504, %dma_start3A_509, %dma_start3A_510] : memref<16x2x128x128xf32, #tpu.memory_space<vmem_shared>> -> memref<1x1x128x128xf32, #tpu.memory_space<vmem_shared>>
    %dma_start3A_512 = tpu.memref_squeeze %dma_start3A_511 : memref<1x1x128x128xf32, #tpu.memory_space<vmem_shared>> -> memref<128x128xf32, #tpu.memory_space<vmem_shared>>
    %dma_start3A_513 = arith.constant 0 : i32
    %dma_start3A_514 = arith.constant 0 : i32
    %dma_start3A_515 = tpu.memref_slice %arg7[%arg1, %dma_start3A_504, %dma_start3A_513, %dma_start3A_514] : memref<16x2x128x128xf32, #tpu.memory_space<vmem_shared>> -> memref<1x1x128x128xf32, #tpu.memory_space<vmem_shared>>
    %dma_start3A_516 = tpu.memref_squeeze %dma_start3A_515 : memref<1x1x128x128xf32, #tpu.memory_space<vmem_shared>> -> memref<128x128xf32, #tpu.memory_space<vmem_shared>>
    %dma_start3A_517 = arith.constant 0 : i32
    %dma_start3A_518 = arith.constant 0 : i32
    %dma_start3A_519 = tpu.memref_slice %arg6[%dma_start3A_503, %dma_start3A_517, %dma_start3A_518] : memref<4x128x128xf32, #tpu.memory_space<vmem>> -> memref<1x128x128xf32, #tpu.memory_space<vmem>>
    %dma_start3A_520 = tpu.memref_squeeze %dma_start3A_519 : memref<1x128x128xf32, #tpu.memory_space<vmem>> -> memref<128x128xf32, #tpu.memory_space<vmem>>
    tpu.enqueue_dma source(%dma_start3A_520 : memref<128x128xf32, #tpu.memory_space<vmem>>) target(%dma_start3A_516 : memref<128x128xf32, #tpu.memory_space<vmem_shared>>) target_semaphore(%arg14 : memref<!tpu.dma_semaphore, #tpu.memory_space<semaphore_mem>>)
    %dma_wait3A_521 = arith.constant 2 : i32
    %dma_wait3A_522 = arith.constant 0 : i32
    %dma_wait3A_523 = arith.constant 0 : i32
    %dma_wait3A_524 = arith.constant 0 : i32
    %dma_wait3A_525 = tpu.memref_slice %arg6[%dma_wait3A_521, %dma_wait3A_523, %dma_wait3A_524] : memref<4x128x128xf32, #tpu.memory_space<vmem>> -> memref<1x128x128xf32, #tpu.memory_space<vmem>>
    %dma_wait3A_526 = tpu.memref_squeeze %dma_wait3A_525 : memref<1x128x128xf32, #tpu.memory_space<vmem>> -> memref<128x128xf32, #tpu.memory_space<vmem>>
    %dma_wait3A_527 = arith.constant 0 : i32
    %dma_wait3A_528 = arith.constant 0 : i32
    %dma_wait3A_529 = tpu.memref_slice %arg7[%arg1, %dma_wait3A_522, %dma_wait3A_527, %dma_wait3A_528] : memref<16x2x128x128xf32, #tpu.memory_space<vmem_shared>> -> memref<1x1x128x128xf32, #tpu.memory_space<vmem_shared>>
    %dma_wait3A_530 = tpu.memref_squeeze %dma_wait3A_529 : memref<1x1x128x128xf32, #tpu.memory_space<vmem_shared>> -> memref<128x128xf32, #tpu.memory_space<vmem_shared>>
    %dma_wait3A_531 = arith.constant 0 : i32
    %dma_wait3A_532 = arith.constant 0 : i32
    %dma_wait3A_533 = tpu.memref_slice %arg7[%arg1, %dma_wait3A_522, %dma_wait3A_531, %dma_wait3A_532] : memref<16x2x128x128xf32, #tpu.memory_space<vmem_shared>> -> memref<1x1x128x128xf32, #tpu.memory_space<vmem_shared>>
    %dma_wait3A_534 = tpu.memref_squeeze %dma_wait3A_533 : memref<1x1x128x128xf32, #tpu.memory_space<vmem_shared>> -> memref<128x128xf32, #tpu.memory_space<vmem_shared>>
    %dma_wait3A_535 = arith.constant 0 : i32
    %dma_wait3A_536 = arith.constant 0 : i32
    %dma_wait3A_537 = tpu.memref_slice %arg6[%dma_wait3A_521, %dma_wait3A_535, %dma_wait3A_536] : memref<4x128x128xf32, #tpu.memory_space<vmem>> -> memref<1x128x128xf32, #tpu.memory_space<vmem>>
    %dma_wait3A_538 = tpu.memref_squeeze %dma_wait3A_537 : memref<1x128x128xf32, #tpu.memory_space<vmem>> -> memref<128x128xf32, #tpu.memory_space<vmem>>
    tpu.wait_dma2 semaphore(%arg14 : memref<!tpu.dma_semaphore, #tpu.memory_space<semaphore_mem>>) src(%dma_wait3A_538 : memref<128x128xf32, #tpu.memory_space<vmem>>) dst(%dma_wait3A_534 : memref<128x128xf32, #tpu.memory_space<vmem_shared>>)
    %add3A_539 = arith.constant 25344 : i32
    %add3A_540 = arith.addi %mul3A_4, %add3A_539 : i32
    %dma_start3A_541 = arith.constant 0 : i32
    %dma_start3A_542 = arith.constant 0 : i32
    %dma_start3A_543 = tpu.memref_slice %arg4[%add3A_540, %dma_start3A_542] : memref<819200x128xf32, #tpu.memory_space<hbm>> -> memref<128x128xf32, #tpu.memory_space<hbm>>
    %dma_start3A_544 = arith.constant 0 : i32
    %dma_start3A_545 = arith.constant 0 : i32
    %dma_start3A_546 = tpu.memref_slice %arg7[%arg1, %dma_start3A_541, %dma_start3A_544, %dma_start3A_545] : memref<16x2x128x128xf32, #tpu.memory_space<vmem_shared>> -> memref<1x1x128x128xf32, #tpu.memory_space<vmem_shared>>
    %dma_start3A_547 = tpu.memref_squeeze %dma_start3A_546 : memref<1x1x128x128xf32, #tpu.memory_space<vmem_shared>> -> memref<128x128xf32, #tpu.memory_space<vmem_shared>>
    tpu.enqueue_dma source(%dma_start3A_547 : memref<128x128xf32, #tpu.memory_space<vmem_shared>>) target(%dma_start3A_543 : memref<128x128xf32, #tpu.memory_space<hbm>>) target_semaphore(%arg16 : memref<!tpu.dma_semaphore, #tpu.memory_space<semaphore_mem>>)
    %dma_wait3A_548 = arith.constant 199 : i32
    %dma_wait3A_549 = arith.constant 3 : i32
    %dma_wait3A_550 = arith.constant 0 : i32
    %dma_wait3A_551 = arith.constant 0 : i32
    %dma_wait3A_552 = tpu.memref_slice %arg6[%dma_wait3A_549, %dma_wait3A_550, %dma_wait3A_551] : memref<4x128x128xf32, #tpu.memory_space<vmem>> -> memref<1x128x128xf32, #tpu.memory_space<vmem>>
    %dma_wait3A_553 = tpu.memref_squeeze %dma_wait3A_552 : memref<1x128x128xf32, #tpu.memory_space<vmem>> -> memref<128x128xf32, #tpu.memory_space<vmem>>
    %dma_wait3A_554 = arith.constant 0 : i32
    %dma_wait3A_555 = tpu.memref_slice %arg5[%dma_wait3A_548, %dma_wait3A_554] : memref<200x128xi32, #tpu.memory_space<vmem>> -> memref<1x128xi32, #tpu.memory_space<vmem>>
    %dma_wait3A_556 = tpu.memref_squeeze %dma_wait3A_555 : memref<1x128xi32, #tpu.memory_space<vmem>> -> memref<128xi32, #tpu.memory_space<vmem>>
    %dma_wait3A_557 = arith.constant 0 : i32
    %dma_wait3A_558 = arith.constant 0 : i32
    %dma_wait3A_559 = tpu.memref_slice %arg3[%dma_wait3A_557, %dma_wait3A_558] : memref<100000x128xf32, #tpu.memory_space<hbm>> -> memref<100000x128xf32, #tpu.memory_space<hbm>>
    tpu.wait_indirect_dma semaphore(%arg11 : memref<!tpu.dma_semaphore, #tpu.memory_space<semaphore_mem>>) src(%dma_wait3A_559 : memref<100000x128xf32, #tpu.memory_space<hbm>>) dst(%dma_wait3A_553 : memref<128x128xf32, #tpu.memory_space<vmem>>)
    %add3A_560 = arith.constant 25216 : i32
    %add3A_561 = arith.addi %mul3A_4, %add3A_560 : i32
    %dma_wait3A_562 = arith.constant 1 : i32
    %dma_wait3A_563 = arith.constant 0 : i32
    %dma_wait3A_564 = tpu.memref_slice %arg4[%add3A_561, %dma_wait3A_563] : memref<819200x128xf32, #tpu.memory_space<hbm>> -> memref<128x128xf32, #tpu.memory_space<hbm>>
    %dma_wait3A_565 = arith.constant 0 : i32
    %dma_wait3A_566 = arith.constant 0 : i32
    %dma_wait3A_567 = tpu.memref_slice %arg7[%arg1, %dma_wait3A_562, %dma_wait3A_565, %dma_wait3A_566] : memref<16x2x128x128xf32, #tpu.memory_space<vmem_shared>> -> memref<1x1x128x128xf32, #tpu.memory_space<vmem_shared>>
    %dma_wait3A_568 = tpu.memref_squeeze %dma_wait3A_567 : memref<1x1x128x128xf32, #tpu.memory_space<vmem_shared>> -> memref<128x128xf32, #tpu.memory_space<vmem_shared>>
    tpu.wait_dma2 semaphore(%arg17 : memref<!tpu.dma_semaphore, #tpu.memory_space<semaphore_mem>>) src(%dma_wait3A_568 : memref<128x128xf32, #tpu.memory_space<vmem_shared>>) dst(%dma_wait3A_564 : memref<128x128xf32, #tpu.memory_space<hbm>>)
    %dma_start3A_569 = arith.constant 3 : i32
    %dma_start3A_570 = arith.constant 1 : i32
    %dma_start3A_571 = arith.constant 0 : i32
    %dma_start3A_572 = arith.constant 0 : i32
    %dma_start3A_573 = tpu.memref_slice %arg6[%dma_start3A_569, %dma_start3A_571, %dma_start3A_572] : memref<4x128x128xf32, #tpu.memory_space<vmem>> -> memref<1x128x128xf32, #tpu.memory_space<vmem>>
    %dma_start3A_574 = tpu.memref_squeeze %dma_start3A_573 : memref<1x128x128xf32, #tpu.memory_space<vmem>> -> memref<128x128xf32, #tpu.memory_space<vmem>>
    %dma_start3A_575 = arith.constant 0 : i32
    %dma_start3A_576 = arith.constant 0 : i32
    %dma_start3A_577 = tpu.memref_slice %arg7[%arg1, %dma_start3A_570, %dma_start3A_575, %dma_start3A_576] : memref<16x2x128x128xf32, #tpu.memory_space<vmem_shared>> -> memref<1x1x128x128xf32, #tpu.memory_space<vmem_shared>>
    %dma_start3A_578 = tpu.memref_squeeze %dma_start3A_577 : memref<1x1x128x128xf32, #tpu.memory_space<vmem_shared>> -> memref<128x128xf32, #tpu.memory_space<vmem_shared>>
    %dma_start3A_579 = arith.constant 0 : i32
    %dma_start3A_580 = arith.constant 0 : i32
    %dma_start3A_581 = tpu.memref_slice %arg7[%arg1, %dma_start3A_570, %dma_start3A_579, %dma_start3A_580] : memref<16x2x128x128xf32, #tpu.memory_space<vmem_shared>> -> memref<1x1x128x128xf32, #tpu.memory_space<vmem_shared>>
    %dma_start3A_582 = tpu.memref_squeeze %dma_start3A_581 : memref<1x1x128x128xf32, #tpu.memory_space<vmem_shared>> -> memref<128x128xf32, #tpu.memory_space<vmem_shared>>
    %dma_start3A_583 = arith.constant 0 : i32
    %dma_start3A_584 = arith.constant 0 : i32
    %dma_start3A_585 = tpu.memref_slice %arg6[%dma_start3A_569, %dma_start3A_583, %dma_start3A_584] : memref<4x128x128xf32, #tpu.memory_space<vmem>> -> memref<1x128x128xf32, #tpu.memory_space<vmem>>
    %dma_start3A_586 = tpu.memref_squeeze %dma_start3A_585 : memref<1x128x128xf32, #tpu.memory_space<vmem>> -> memref<128x128xf32, #tpu.memory_space<vmem>>
    tpu.enqueue_dma source(%dma_start3A_586 : memref<128x128xf32, #tpu.memory_space<vmem>>) target(%dma_start3A_582 : memref<128x128xf32, #tpu.memory_space<vmem_shared>>) target_semaphore(%arg15 : memref<!tpu.dma_semaphore, #tpu.memory_space<semaphore_mem>>)
    %dma_wait3A_587 = arith.constant 3 : i32
    %dma_wait3A_588 = arith.constant 1 : i32
    %dma_wait3A_589 = arith.constant 0 : i32
    %dma_wait3A_590 = arith.constant 0 : i32
    %dma_wait3A_591 = tpu.memref_slice %arg6[%dma_wait3A_587, %dma_wait3A_589, %dma_wait3A_590] : memref<4x128x128xf32, #tpu.memory_space<vmem>> -> memref<1x128x128xf32, #tpu.memory_space<vmem>>
    %dma_wait3A_592 = tpu.memref_squeeze %dma_wait3A_591 : memref<1x128x128xf32, #tpu.memory_space<vmem>> -> memref<128x128xf32, #tpu.memory_space<vmem>>
    %dma_wait3A_593 = arith.constant 0 : i32
    %dma_wait3A_594 = arith.constant 0 : i32
    %dma_wait3A_595 = tpu.memref_slice %arg7[%arg1, %dma_wait3A_588, %dma_wait3A_593, %dma_wait3A_594] : memref<16x2x128x128xf32, #tpu.memory_space<vmem_shared>> -> memref<1x1x128x128xf32, #tpu.memory_space<vmem_shared>>
    %dma_wait3A_596 = tpu.memref_squeeze %dma_wait3A_595 : memref<1x1x128x128xf32, #tpu.memory_space<vmem_shared>> -> memref<128x128xf32, #tpu.memory_space<vmem_shared>>
    %dma_wait3A_597 = arith.constant 0 : i32
    %dma_wait3A_598 = arith.constant 0 : i32
    %dma_wait3A_599 = tpu.memref_slice %arg7[%arg1, %dma_wait3A_588, %dma_wait3A_597, %dma_wait3A_598] : memref<16x2x128x128xf32, #tpu.memory_space<vmem_shared>> -> memref<1x1x128x128xf32, #tpu.memory_space<vmem_shared>>
    %dma_wait3A_600 = tpu.memref_squeeze %dma_wait3A_599 : memref<1x1x128x128xf32, #tpu.memory_space<vmem_shared>> -> memref<128x128xf32, #tpu.memory_space<vmem_shared>>
    %dma_wait3A_601 = arith.constant 0 : i32
    %dma_wait3A_602 = arith.constant 0 : i32
    %dma_wait3A_603 = tpu.memref_slice %arg6[%dma_wait3A_587, %dma_wait3A_601, %dma_wait3A_602] : memref<4x128x128xf32, #tpu.memory_space<vmem>> -> memref<1x128x128xf32, #tpu.memory_space<vmem>>
    %dma_wait3A_604 = tpu.memref_squeeze %dma_wait3A_603 : memref<1x128x128xf32, #tpu.memory_space<vmem>> -> memref<128x128xf32, #tpu.memory_space<vmem>>
    tpu.wait_dma2 semaphore(%arg15 : memref<!tpu.dma_semaphore, #tpu.memory_space<semaphore_mem>>) src(%dma_wait3A_604 : memref<128x128xf32, #tpu.memory_space<vmem>>) dst(%dma_wait3A_600 : memref<128x128xf32, #tpu.memory_space<vmem_shared>>)
    %add3A_605 = arith.constant 25472 : i32
    %add3A_606 = arith.addi %mul3A_4, %add3A_605 : i32
    %dma_start3A_607 = arith.constant 1 : i32
    %dma_start3A_608 = arith.constant 0 : i32
    %dma_start3A_609 = tpu.memref_slice %arg4[%add3A_606, %dma_start3A_608] : memref<819200x128xf32, #tpu.memory_space<hbm>> -> memref<128x128xf32, #tpu.memory_space<hbm>>
    %dma_start3A_610 = arith.constant 0 : i32
    %dma_start3A_611 = arith.constant 0 : i32
    %dma_start3A_612 = tpu.memref_slice %arg7[%arg1, %dma_start3A_607, %dma_start3A_610, %dma_start3A_611] : memref<16x2x128x128xf32, #tpu.memory_space<vmem_shared>> -> memref<1x1x128x128xf32, #tpu.memory_space<vmem_shared>>
    %dma_start3A_613 = tpu.memref_squeeze %dma_start3A_612 : memref<1x1x128x128xf32, #tpu.memory_space<vmem_shared>> -> memref<128x128xf32, #tpu.memory_space<vmem_shared>>
    tpu.enqueue_dma source(%dma_start3A_613 : memref<128x128xf32, #tpu.memory_space<vmem_shared>>) target(%dma_start3A_609 : memref<128x128xf32, #tpu.memory_space<hbm>>) target_semaphore(%arg17 : memref<!tpu.dma_semaphore, #tpu.memory_space<semaphore_mem>>)
    %add3A_614 = arith.constant 25344 : i32
    %add3A_615 = arith.addi %mul3A_4, %add3A_614 : i32
    %dma_wait3A_616 = arith.constant 0 : i32
    %dma_wait3A_617 = arith.constant 0 : i32
    %dma_wait3A_618 = tpu.memref_slice %arg4[%add3A_615, %dma_wait3A_617] : memref<819200x128xf32, #tpu.memory_space<hbm>> -> memref<128x128xf32, #tpu.memory_space<hbm>>
    %dma_wait3A_619 = arith.constant 0 : i32
    %dma_wait3A_620 = arith.constant 0 : i32
    %dma_wait3A_621 = tpu.memref_slice %arg7[%arg1, %dma_wait3A_616, %dma_wait3A_619, %dma_wait3A_620] : memref<16x2x128x128xf32, #tpu.memory_space<vmem_shared>> -> memref<1x1x128x128xf32, #tpu.memory_space<vmem_shared>>
    %dma_wait3A_622 = tpu.memref_squeeze %dma_wait3A_621 : memref<1x1x128x128xf32, #tpu.memory_space<vmem_shared>> -> memref<128x128xf32, #tpu.memory_space<vmem_shared>>
    tpu.wait_dma2 semaphore(%arg16 : memref<!tpu.dma_semaphore, #tpu.memory_space<semaphore_mem>>) src(%dma_wait3A_622 : memref<128x128xf32, #tpu.memory_space<vmem_shared>>) dst(%dma_wait3A_618 : memref<128x128xf32, #tpu.memory_space<hbm>>)
    %add3A_623 = arith.constant 25472 : i32
    %add3A_624 = arith.addi %mul3A_4, %add3A_623 : i32
    %dma_wait3A_625 = arith.constant 1 : i32
    %dma_wait3A_626 = arith.constant 0 : i32
    %dma_wait3A_627 = tpu.memref_slice %arg4[%add3A_624, %dma_wait3A_626] : memref<819200x128xf32, #tpu.memory_space<hbm>> -> memref<128x128xf32, #tpu.memory_space<hbm>>
    %dma_wait3A_628 = arith.constant 0 : i32
    %dma_wait3A_629 = arith.constant 0 : i32
    %dma_wait3A_630 = tpu.memref_slice %arg7[%arg1, %dma_wait3A_625, %dma_wait3A_628, %dma_wait3A_629] : memref<16x2x128x128xf32, #tpu.memory_space<vmem_shared>> -> memref<1x1x128x128xf32, #tpu.memory_space<vmem_shared>>
    %dma_wait3A_631 = tpu.memref_squeeze %dma_wait3A_630 : memref<1x1x128x128xf32, #tpu.memory_space<vmem_shared>> -> memref<128x128xf32, #tpu.memory_space<vmem_shared>>
    tpu.wait_dma2 semaphore(%arg17 : memref<!tpu.dma_semaphore, #tpu.memory_space<semaphore_mem>>) src(%dma_wait3A_631 : memref<128x128xf32, #tpu.memory_space<vmem_shared>>) dst(%dma_wait3A_627 : memref<128x128xf32, #tpu.memory_space<hbm>>)
    return
  }
}

</mosaic_0001>

<sc_bundles>
// kernel: kernel.3.cloned.1.call-start
scs
__scs_entry_jumppad:
0x0: {  	(pc) =	sbr.rel $0x88, $3  }
0x1: {  	(tag) =	ssettag $0x0;
	lr =	simm.s32 $0x1  }
0x2: {  	[smem:$0x3F9F] =	sst lr;
	_ =	strace $0xD0000000  }
0x3: {  	_ = 	snop  }
0x4: {  	_ = 	snop  }
0x5: {  	_ = 	snop  }
0x6: {  	_ = 	snop  }
0x7: {  	_ = 	snop  }
__scs_overlays_trampoline_lowered:
0x8: {  	[smem:$0x3FAE] =	sst s0  }
0x9: {  	[smem:$0x3FAF] =	sst s1  }
0xa: {  	[smem:$0x3FB0] =	sst s2  }
0xb: {  	[smem:$0x3FB1] =	sst s3  }
0xc: {  	[smem:$0x3FB2] =	sst s4  }
0xd: {  	[smem:$0x3FB3] =	sst s5  }
0xe: {  	[smem:$0x3FB4] =	sst s6  }
0xf: {  	[smem:$0x3FB5] =	sst s7  }
0x10: {  	[smem:$0x3FB6] =	sst s8  }
0x11: {  	[smem:$0x3FB7] =	sst s9;
	s0 =	simm.s32 @!p0 $0x0  }
0x12: {  	s1 =	sld [smem:$0x3F9D];
	s0 =	simm.s32 @p0 $0x1  }
0x13: {  	[smem:$0x3FB8] =	sst s0;
	s0 =	simm.s32 @!p1 $0x0  }
0x14: {  	s2 =	sld [smem:$0x3F9C];
	s0 =	simm.s32 @p1 $0x1  }
0x15: {  	[smem:$0x3FB9] =	sst s0;
	s0 =	simm.s32 @!p2 $0x0  }
0x16: {  	s3 =	sld [smem:$0x3FDB];
	s0 =	simm.s32 @p2 $0x1  }
0x17: {  	s4 =	simm.s32 $0x1BF5;
	[smem:$0x3FBB] =	sst s0  }
0x18: {  	s0 =	sld [smem:$0x3F9E];
	_ =	swait.ge [sflag:s4], $0x0  }
0x19: {  	s7 =	sld [smem:$0x3F9F]  }
0x1a: {  	s8 =	sadd.s32 $0xFFFFE003, lr  }
0x1b: {  	s9 =	sadd.s32 $0xFFFFFEF7, lr;
	s5 =	simm.s32 $0xFFFFFFFF;
	p2 =	slt.u32 s8, $0xFFFFF086  }
0x1c: {  	p1 =	slt.u32 s9, $0xF7A;
	s5 =	simm.s32 @!p2 $0x0  }
0x1d: {  	s5 =	simm.s32 @p1 $0x1;
	p0 =	seq.s32 s7, s2  }
0x1e: {  	s7 =	smul.u32 @!p0 $0xF7A, s2;
	p2 =	seq.s32 @!p0 s5, $0x0  }
0x1f: {  	s9 =	smul.u32 $0xF7A, s1;
	s8 =	simm.s32 @!p0 $0x1BF5;
	p2 =	por !p2, p0  }
0x20: {  	[sflag:s8] =	ssyncset.s32 @!p0 $0xFFFFF086;
	s6 =	sadd.s32 @!p0 s3, s7;
	s7 =	simm.s32 @!p0 $0x108  }
0x21: {  	s3 =	sadd.s32 s3, s9;
	s6 =	sadd.s32 @!p0 $0x88, s6;
	s7 =	simm.s32 @p2 $0x1082  }
0x22: {  	[simem:s7], [sflag:s8] =	dma.local @!p0 [hbm:s6], $0xF7A  }
0x23: {  	s9 =	sor.u32 $0xD0000000, s2;
	s6 =	simm.s32 $0x108;
	_ =	swait.ge @!p0 [sflag:s8], $0x0  }
0x24: {  	s3 =	sadd.s32 $0x88, s3;
	s6 =	simm.s32 @!p1 $0x1082;
	[sflag:s4] =	ssyncset.s32 $0xFFFFF086  }
0x25: {  	[simem:s6], [sflag:s4] =	dma.local [hbm:s3], $0xF7A  }
0x26: {  	[smem:$0x3F9F] =	sst s1;
	(tag) =	ssettag s2;
	_ =	strace s9  }
0x27: {  	s1 =	sld [smem:$0x3FAF]  }
0x28: {  	s2 =	sld [smem:$0x3FB0]  }
0x29: {  	s4 =	sld [smem:$0x3FB2]  }
0x2a: {  	p0 =	seq.s32 s5, $0x0;
	s5 =	sld [smem:$0x3FB3]  }
0x2b: {  	s6 =	sld [smem:$0x3FB4]  }
0x2c: {  	s7 =	sld [smem:$0x3FB5]  }
0x2d: {  	s3 =	simm.s32 $0x108;
	s8 =	sld [smem:$0x3FB6]  }
0x2e: {  	s3 =	simm.s32 @!p0 $0x1082;
	s9 =	sld [smem:$0x3FB7]  }
0x2f: {  	lr =	sadd.s32 s0, s3;
	s0 =	sld [smem:$0x3FAE]  }
0x30: {  	s3 =	sld [smem:$0x3FB1]  }
0x31: {  	[smem:$0x3FBA] =	sst s10  }
0x32: {  	s10 =	sld [smem:$0x3FB8];
	_ =	sdelay $0x3  }
0x33: {  	p0 =	seq.s32 s10, $0x1;
	s10 =	sld [smem:$0x3FBA];
	_ =	sdelay $0x3  }
0x34: {  	[smem:$0x3FBA] =	sst s10  }
0x35: {  	s10 =	sld [smem:$0x3FB9];
	_ =	sdelay $0x3  }
0x36: {  	p1 =	seq.s32 s10, $0x1;
	s10 =	sld [smem:$0x3FBA];
	_ =	sdelay $0x3  }
0x37: {  	[smem:$0x3FBA] =	sst s10  }
0x38: {  	s10 =	sld [smem:$0x3FBB]  }
0x39: {  	_ = 	snop;
	(pc) =	sbr.ind lr, $3  }
0x3a: {  	_ = 	snop  }
0x3b: {  	_ = 	snop  }
0x3c: {  	p2 =	seq.s32 s10, $0x1;
	s10 =	sld [smem:$0x3FBA]  }
0x3d: {  	_ =	shalt  }
0x3e: {  	_ =	shalt  }
0x3f: {  	_ =	shalt  }
0x40: {  	_ =	shalt  }
0x41: {  	_ =	shalt  }
0x42: {  	_ =	shalt  }
0x43: {  	_ =	shalt  }
0x44: {  	_ =	shalt  }
0x45: {  	_ =	shalt  }
0x46: {  	_ =	shalt  }
0x47: {  	_ =	shalt  }
0x48: {  	_ =	shalt  }
0x49: {  	_ =	shalt  }
0x4a: {  	_ =	shalt  }
0x4b: {  	_ =	shalt  }
0x4c: {  	_ =	shalt  }
0x4d: {  	_ =	shalt  }
0x4e: {  	_ =	shalt  }
0x4f: {  	_ =	shalt  }
0x50: {  	_ =	shalt  }
0x51: {  	_ =	shalt  }
0x52: {  	_ =	shalt  }
0x53: {  	_ =	shalt  }
0x54: {  	_ =	shalt  }
0x55: {  	_ =	shalt  }
0x56: {  	_ =	shalt  }
0x57: {  	_ =	shalt  }
0x58: {  	_ =	shalt  }
0x59: {  	_ =	shalt  }
0x5a: {  	_ =	shalt  }
0x5b: {  	_ =	shalt  }
0x5c: {  	_ =	shalt  }
0x5d: {  	_ =	shalt  }
0x5e: {  	_ =	shalt  }
0x5f: {  	_ =	shalt  }
0x60: {  	_ =	shalt  }
0x61: {  	_ =	shalt  }
0x62: {  	_ =	shalt  }
0x63: {  	_ =	shalt  }
0x64: {  	_ =	shalt  }
0x65: {  	_ =	shalt  }
0x66: {  	_ =	shalt  }
0x67: {  	_ =	shalt  }
0x68: {  	_ =	shalt  }
0x69: {  	_ =	shalt  }
0x6a: {  	_ =	shalt  }
0x6b: {  	_ =	shalt  }
0x6c: {  	_ =	shalt  }
0x6d: {  	_ =	shalt  }
0x6e: {  	_ =	shalt  }
0x6f: {  	_ =	shalt  }
0x70: {  	_ =	shalt  }
0x71: {  	_ =	shalt  }
0x72: {  	_ =	shalt  }
0x73: {  	_ =	shalt  }
0x74: {  	_ =	shalt  }
0x75: {  	_ =	shalt  }
0x76: {  	_ =	shalt  }
0x77: {  	_ =	shalt  }
0x78: {  	_ =	shalt  }
0x79: {  	_ =	shalt  }
0x7a: {  	_ =	shalt  }
0x7b: {  	_ =	shalt  }
0x7c: {  	_ =	shalt  }
0x7d: {  	_ =	shalt  }
0x7e: {  	_ =	shalt  }
0x7f: {  	_ =	shalt  }
0x80: {  	_ =	shalt  }
0x81: {  	_ =	shalt  }
0x82: {  	_ =	shalt  }
0x83: {  	_ =	shalt  }
0x84: {  	_ =	shalt  }
0x85: {  	_ =	shalt  }
0x86: {  	_ =	shalt  }
0x87: {  	_ =	shalt  }
.Lfunc_end0:
.L_simem_size_0:
called_computation_lowered:
.L_overlay_start_0:
0x88: {  	s2 =	sld [smem:$0x3FD9]  }
0x89: {  	s3 =	sld [smem:$0x3FFE];
	_ =	sdelay $0x1  }
0x8a: {  	s1 =	srdreg.scid  }
0x8b: {  	s0 =	sand.u32 $0x1, s1  }
0x8c: {  	s17 =	sshll.u32 s0, $0xA;
	s2 =	sadd.s32 s3, s2  }
0x8d: {  	s2 =	sadd.s32 s2, s17  }
0x8e: {  	[smem:$0x3FC6] =	sst s2  }
0x8f: {  	_ = 	snop  }
0x90: {  	s2 =	sld [smem:$0x3FC8]  }
0x91: {  	s18 =	sld [smem:$0x3FD0];
	(tm) =	ssettm $0x1  }
0x92: {  	s4 =	sld [smem:$0x3FFB];
	_ =	sdelay $0x3  }
0x93: {  	_ =	strace s4  }
0x94: {  	s4 =	sld [smem:$0x3FFC];
	_ =	sdelay $0x3  }
0x95: {  	_ =	strace s4  }
0x96: {  	s4 =	sld [smem:$0x3FFD];
	_ =	sdelay $0x3  }
0x97: {  	_ =	strace s4  }
0x98: {  	_ =	strace $0x8FFFFFFF  }
0x99: {  	s19 =	sld [smem:$0x3FDB];
	_ =	sdelay $0x1  }
0x9a: {  	s5 =	simm.s32 $_scs_section_size  }
0x9b: {  	s6 =	simm.s32 $_size__tile_overlayer_lowered;
	s7 =	simm.s32 $_tile_overlayer_lowered  }
0x9c: {  	s22 =	simm.s32 $0x1BFF;
	s21 =	sshll.u32 s7, $0x1;
	s4 =	sadd.s32 s5, s19  }
0x9d: {  	s8 =	simm.s32 $0x0;
	s20 =	sshll.u32 s6, $0x1;
	s6 =	sadd.s32 s21, s4  }
0x9e: {  	[timem:s8], [sflag:s22] =	dma.local [hbm:s6], s20  }
0x9f: {  	_ =	swait.ge [sflag:s22], s20  }
0xa0: {  	s5 =	ssub.s32 $0x0, s20;
	[sflag:s22] =	ssyncset.done $0x0  }
0xa1: {  	[sflag:s22] =	ssyncadd.s32 s5;
	_ =	sdelay $0x1  }
0xa2: {  	s23 =	simm.s32 $0x1B8B  }
0xa3: {  	_ =	swait.ge [sflag:s23], $0x1  }
0xa4: {  	[sflag:s23] =	ssyncset.done $0x0  }
0xa5: {  	s25 =	simm.s32 $0x1B8E;
	s24 =	sld [smem:$0x3FFE];
	[sflag:s23] =	ssyncadd.s32 $0xFFFFFFFF  }
0xa6: {  	s26 =	simm.s32 $execute0_lowered;
	[smem:$0x3FD2] =	sst s25  }
0xa7: {  	s6 =	sshll.u32 s26, $0x1;
	_ =	strace $0x80000046;
	[dreg:$0x1] =	wrdreg $0xFFFFFFFF  }
0xa8: {  	s28 =	simm.s32 $_size_execute0_lowered;
	s4 =	sadd.s32 s4, s6;
	[dreg:$0x0] =	wrdreg $0x0  }
0xa9: {  	s6 =	sshll.u32 s28, $0x1;
	[dreg:$0x2] =	wrdreg s4  }
0xaa: {  	[dreg:$0x3] =	wrdreg s6  }
0xab: {  	[dreg:$0x4] =	wrdreg $0xC0  }
0xac: {  	_ =	task [dreg:s8], $0x5FFFF  }
0xad: {  	[dreg:$0x1] =	wrdreg $0xFFFFFFFF  }
0xae: {  	[dreg:$0x0] =	wrdreg $0x60  }
0xaf: {  	[dreg:$0x2] =	wrdreg s24  }
0xb0: {  	[dreg:$0x3] =	wrdreg s2  }
0xb1: {  	[dreg:$0x4] =	wrdreg s18  }
0xb2: {  	[dreg:$0x5] =	wrdreg $0x164000  }
0xb3: {  	[dreg:$0x6] =	wrdreg $0x9  }
0xb4: {  	_ =	task.clear_ibuf [dreg:s8], $0x7FFFF;
	_ =	strace $0x90000046  }
0xb5: {  	s29 =	simm.s32 $0x9;
	_ =	strace $0x80000048  }
0xb6: {  	_ =	swait.ge [sflag:s29], $0x1  }
0xb7: {  	[sflag:s29] =	ssyncadd.s32 $0xFFFFFFFF  }
0xb8: {  	_ =	strace $0x90000048  }
0xb9: {  	_ =	sfence  }
0xba: {  	s30 =	sld [smem:$0x0];
	_ =	sdelay $0x2  }
0xbb: {  	s31 =	sshll.u32 s1, $0xD;
	s1 =	sshrl.u32 s1, $0x2  }
0xbc: {  	s3 =	sand.u32 $0x4000, s31;
	s1 =	sadd.s32 s1, s30  }
0xbd: {  	s0 =	sor.u32 s3, s0;
	s1 =	sshll.u32 s1, $0x11  }
0xbe: {  	s0 =	sor.u32 s1, s0  }
0xbf: {  	s0 =	sadd.s32 $0x8F2B, s0  }
0xc0: {  	[sflag:s0] =	ssyncadd.remote.s32 $0x1  }
0xc1: {  	_ =	sfence.sel $0xFFFF  }
0xc2: {  	[dreg:$0x0] =	wrdreg $0xFFFFFFFF;
	(pc) =	sbr.abs _section_cstart, $3  }
0xc3: {  	[dreg:$0x1] =	wrdreg $0xFFFFFFFF  }
0xc4: {  	_ =	task.clear_ibuf [dreg:s8], $0x2FFFF;
	_ =	strace $0x9FFFFFFF  }
0xc5: {  	(tm) =	ssettm $0x7FFFFFFF  }
tec
execute0_lowered:
.L_overlay_start_1:
0x0: {  	(tag) =	ssettag $0x1  }
0x1: {  	s0 =	rddreg [dreg:$0x0]  }
0x2: {  	s1 =	rddreg [dreg:$0x1]  }
0x3: {  	s2 =	rddreg [dreg:$0x2];
	s3 =	srdreg.scid  }
0x4: {  	s10 =	stileid.u32;
	s4 =	rddreg [dreg:$0x3]  }
0x5: {  	s6 =	simm.s32 $0x0;
	s28 =	simm.s32 $0x12400;
	s16 =	smul.u32 $0x640000, s10  }
0x6: {  	s29 =	simm.s32 $0x3;
	s3 =	sand.u32 $0x1, s3;
	s23 =	smul.u32 $0xC8000, s10  }
0x7: {  	s30 =	simm.s32 $0x9;
	s5 =	sshll.u32 s10, $0x1;
	s18 =	smul.u32 $0x320000, s3  }
0x8: {  	s5 =	sor.u32 s3, s5;
	s7 =	ssub.s32 $0x2, s3;
	s3 =	smul.u32 $0x64000, s3  }
0x9: {  	s31 =	simm.s32 $0x7;
	[smem:$0x7FF] =	sst s6;
	s13 =	smul.u32 $0xC80, s5  }
0xa: {  	s15 =	sshll.u32 s10, $0xF;
	s8 =	sshrl.u32 s7, $0x1;
	s14 =	smul.u32 $0x64000, s5  }
0xb: {  	_ =	strace $0x80000047;
	s9 =	smul.u32 $0x320000, s5;
	s8 =	ssub.s32 s7, s8  }
0xc: {  	s5 =	sadd.s32 s15, s4;
	s0 =	sadd.s32 s13, s0;
	s25 =	smax.u32 s8, $0x1  }
0xd: {  	s6 =	sadd.s32 s2, s14;
	s0 =	sadd.s32 $0x400, s0;
	[dreg:$0xf] =	wrdreg s25  }
0xe: {  	s7 =	sadd.s32 $0x4000, s5;
	s11 =	sadd.s32 $0x800, s6;
	[dreg:$0x7] =	wrdreg s0  }
0xf: {  	s17 =	sshrl.u32 s9, $0x3;
	s19 =	sadd.s32 $0x1000, s6;
	[dreg:$0x8] =	wrdreg s11  }
0x10: {  	s4 =	sadd.s32 s2, s17;
	s20 =	sadd.s32 $0x1800, s6;
	[dreg:$0x9] =	wrdreg s19  }
0x11: {  	s17 =	simm.s32 $0x80;
	s25 =	simm.s32 $0x6;
	[dreg:$0xa] =	wrdreg s20  }
0x12: {  	s21 =	sadd.s32 $0x62000, s4;
	s0 =	sadd.s32 s18, s16;
	s22 =	sadd.s32 $0x62800, s4  }
0x13: {  	s24 =	sadd.s32 $0x63000, s4;
	s4 =	sadd.s32 $0x63800, s4;
	[dreg:$0xb] =	wrdreg s21  }
0x14: {  	s16 =	simm.s32 $0xB;
	s18 =	simm.s32 $0x6400;
	[dreg:$0xc] =	wrdreg s22  }
0x15: {  	s19 =	simm.s32 $0xA400;
	s20 =	simm.s32 $0x1;
	[dreg:$0xd] =	wrdreg s24  }
0x16: {  	s0 =	sor.u32 $0x10000, s0;
	[dreg:$0xe] =	wrdreg s4;
	s21 =	simm.s32 $0x5  }
0x17: {  	s24 =	simm.s32 $0x2;
	s22 =	simm.s32 $0xA;
	s0 =	sshrl.u32 s0, $0x3  }
0x18: {  	s0 =	sadd.s32 s0, s2;
	s2 =	sadd.s32 s23, s2;
	s23 =	simm.s32 $0xE400  }
0x19: {  	[dreg:$0x5] =	wrdreg s0;
	s26 =	sadd.s32 s3, s2;
	s0 =	simm.s32 $0x4  }
0x1a: {  	s2 =	simm.s32 $0x0;
	[dreg:$0x6] =	wrdreg s26;
	s26 =	simm.s32 $0x8  }
.LBB2_1:
0x1b: {  	s3 =	simm.s32 $0x0;
	s4 =	rddreg [dreg:$0x7]  }
0x1c: {  	[tilespmem:s3], [sflag:$0xB] =	stream.linear.gather [hbm4b:s4+s3], $0x6400, $0x38;
	[tilespmem:$0x1E400] =	vst v63  }
0x1d: {  	_ =	swait.ge [sflag:s16], $0x6400  }
0x1e: {  	[sflag:s16] =	ssyncset.done $0x0  }
0x1f: {  	[sflag:s16] =	ssyncadd.s32 $0xFFFF9C00  }
0x20: {  	[tilespmem:s18], [sflag:$0x1] =	stream.indirect.gather [hbm4b:s1+s17], $0x80, s3, s17, $0xb8;
	[tilespmem:$0x1E400] =	vst v63  }
0x21: {  	_ = 	snop  }
0x22: {  	[tilespmem:s19], [sflag:$0x2] =	stream.indirect.gather [hbm4b:s1+s17], $0x80, s17, s17, $0xb8;
	[tilespmem:$0x1E400] =	vst v63  }
0x23: {  	_ =	swait.ge [sflag:s20], $0x4000  }
0x24: {  	[sflag:s20] =	ssyncset.done $0x0  }
0x25: {  	[sflag:s20] =	ssyncadd.s32 $0xFFFFC000  }
0x26: {  	[spmem:s5] =	stream.linear.scatter [tilespmem:s18], [sflag:$0x5], $0x4000, $0x38;
	[tilespmem:$0x1E400] =	vst v63  }
0x27: {  	s13 =	stileid.u32;
	_ =	swait.ge [sflag:s21], $0x4000  }
0x28: {  	s12 =	simm.s32 $0x100;
	s14 =	sshll.u32 s13, $0x6;
	[sflag:s21] =	ssyncset.done $0x0  }
0x29: {  	s8 =	sshrl.u32 s5, $0x3;
	s3 =	sor.u32 $0x1C09, s14;
	[sflag:s21] =	ssyncadd.s32 $0xFFFFC000  }
0x2a: {  	[tilespmem:s23], [sflag:$0x3] =	stream.indirect.gather [hbm4b:s1+s17], $0x80, s12, s17, $0xb8;
	[tilespmem:$0x1E400] =	vst v63  }
0x2b: {  	[hbm:s6], [sflag:s3] =	dma.local [spmem:s8], $0x800  }
0x2c: {  	_ =	swait.ge [sflag:s24], $0x4000  }
0x2d: {  	[sflag:s24] =	ssyncset.done $0x0  }
0x2e: {  	[sflag:s24] =	ssyncadd.s32 $0xFFFFC000  }
0x2f: {  	[spmem:s7] =	stream.linear.scatter [tilespmem:s19], [sflag:$0x6], $0x4000, $0x38;
	[tilespmem:$0x1E400] =	vst v63  }
0x30: {  	_ =	swait.ge [sflag:s25], $0x4000  }
0x31: {  	[sflag:s25] =	ssyncset.done $0x0  }
0x32: {  	s9 =	simm.s32 $0x180;
	[sflag:s25] =	ssyncadd.s32 $0xFFFFC000  }
0x33: {  	[tilespmem:s28], [sflag:$0x4] =	stream.indirect.gather [hbm4b:s1+s17], $0x80, s9, s17, $0xb8;
	[tilespmem:$0x1E400] =	vst v63  }
0x34: {  	s4 =	sor.u32 $0x1C0A, s14;
	s10 =	rddreg [dreg:$0x8];
	s9 =	sshrl.u32 s7, $0x3  }
0x35: {  	[hbm:s10], [sflag:s4] =	dma.local [spmem:s9], $0x800  }
0x36: {  	_ =	swait.ge [sflag:s29], $0x4000  }
0x37: {  	[sflag:s29] =	ssyncset.done $0x0  }
0x38: {  	[sflag:s29] =	ssyncadd.s32 $0xFFFFC000  }
0x39: {  	_ =	swait.ge [sflag:s30], $0x800  }
0x3a: {  	[sflag:s30] =	ssyncset.done $0x0  }
0x3b: {  	[sflag:s30] =	ssyncadd.s32 $0xFFFFF800  }
0x3c: {  	[spmem:s5] =	stream.linear.scatter [tilespmem:s23], [sflag:$0x7], $0x4000, $0x38;
	[tilespmem:$0x1E400] =	vst v63  }
0x3d: {  	_ =	swait.ge [sflag:s31], $0x4000  }
0x3e: {  	[sflag:s31] =	ssyncset.done $0x0  }
0x3f: {  	s15 =	simm.s32 $0x200;
	s11 =	rddreg [dreg:$0x9];
	[sflag:s31] =	ssyncadd.s32 $0xFFFFC000  }
0x40: {  	[tilespmem:s18], [sflag:$0x1] =	stream.indirect.gather [hbm4b:s1+s17], $0x80, s15, s17, $0xb8;
	[tilespmem:$0x1E400] =	vst v63  }
0x41: {  	[hbm:s11], [sflag:s3] =	dma.local [spmem:s8], $0x800  }
0x42: {  	_ =	swait.ge [sflag:s0], $0x4000  }
0x43: {  	[sflag:s0] =	ssyncset.done $0x0  }
0x44: {  	[sflag:s0] =	ssyncadd.s32 $0xFFFFC000  }
0x45: {  	_ =	swait.ge [sflag:s22], $0x800  }
0x46: {  	[sflag:s22] =	ssyncset.done $0x0  }
0x47: {  	[sflag:s22] =	ssyncadd.s32 $0xFFFFF800  }
0x48: {  	[spmem:s7] =	stream.linear.scatter [tilespmem:s28], [sflag:$0x8], $0x4000, $0x38;
	[tilespmem:$0x1E400] =	vst v63  }
0x49: {  	_ =	swait.ge [sflag:s26], $0x4000  }
0x4a: {  	[sflag:s26] =	ssyncset.done $0x0  }
0x4b: {  	s12 =	simm.s32 $0x280;
	s13 =	rddreg [dreg:$0xa];
	[sflag:s26] =	ssyncadd.s32 $0xFFFFC000  }
0x4c: {  	[tilespmem:s19], [sflag:$0x2] =	stream.indirect.gather [hbm4b:s1+s17], $0x80, s12, s17, $0xb8;
	[tilespmem:$0x1E400] =	vst v63  }
0x4d: {  	[hbm:s13], [sflag:s4] =	dma.local [spmem:s9], $0x800  }
0x4e: {  	_ =	swait.ge [sflag:s20], $0x4000  }
0x4f: {  	[sflag:s20] =	ssyncset.done $0x0  }
0x50: {  	[sflag:s20] =	ssyncadd.s32 $0xFFFFC000  }
0x51: {  	_ =	swait.ge [sflag:s30], $0x800  }
0x52: {  	[sflag:s30] =	ssyncset.done $0x0  }
0x53: {  	[sflag:s30] =	ssyncadd.s32 $0xFFFFF800  }
0x54: {  	[spmem:s5] =	stream.linear.scatter [tilespmem:s18], [sflag:$0x5], $0x4000, $0x38;
	[tilespmem:$0x1E400] =	vst v63  }
0x55: {  	_ =	swait.ge [sflag:s21], $0x4000  }
0x56: {  	[sflag:s21] =	ssyncset.done $0x0;
	s14 =	rddreg [dreg:$0x5]  }
0x57: {  	s11 =	simm.s32 $0x300;
	[sflag:s21] =	ssyncadd.s32 $0xFFFFC000;
	s10 =	sadd.s32 $0x0, s14  }
0x58: {  	[tilespmem:s23], [sflag:$0x3] =	stream.indirect.gather [hbm4b:s1+s17], $0x80, s11, s17, $0xb8;
	[tilespmem:$0x1E400] =	vst v63  }
0x59: {  	[hbm:s10], [sflag:s3] =	dma.local [spmem:s8], $0x800  }
0x5a: {  	_ =	swait.ge [sflag:s24], $0x4000  }
0x5b: {  	[sflag:s24] =	ssyncset.done $0x0  }
0x5c: {  	[sflag:s24] =	ssyncadd.s32 $0xFFFFC000  }
0x5d: {  	_ =	swait.ge [sflag:s22], $0x800  }
0x5e: {  	[sflag:s22] =	ssyncset.done $0x0  }
0x5f: {  	[sflag:s22] =	ssyncadd.s32 $0xFFFFF800  }
0x60: {  	[spmem:s7] =	stream.linear.scatter [tilespmem:s19], [sflag:$0x6], $0x4000, $0x38;
	[tilespmem:$0x1E400] =	vst v63  }
0x61: {  	_ =	swait.ge [sflag:s25], $0x4000  }
0x62: {  	[sflag:s25] =	ssyncset.done $0x0;
	s15 =	rddreg [dreg:$0x6]  }
0x63: {  	s12 =	simm.s32 $0x380;
	[sflag:s25] =	ssyncadd.s32 $0xFFFFC000;
	s13 =	sadd.s32 $0x0, s15  }
0x64: {  	[tilespmem:s28], [sflag:$0x4] =	stream.indirect.gather [hbm4b:s1+s17], $0x80, s12, s17, $0xb8;
	[tilespmem:$0x1E400] =	vst v63  }
0x65: {  	s10 =	sadd.s32 $0x2800, s13  }
0x66: {  	[hbm:s10], [sflag:s4] =	dma.local [spmem:s9], $0x800  }
0x67: {  	_ =	swait.ge [sflag:s29], $0x4000  }
0x68: {  	[sflag:s29] =	ssyncset.done $0x0  }
0x69: {  	[sflag:s29] =	ssyncadd.s32 $0xFFFFC000  }
0x6a: {  	_ =	swait.ge [sflag:s30], $0x800  }
0x6b: {  	[sflag:s30] =	ssyncset.done $0x0  }
0x6c: {  	[sflag:s30] =	ssyncadd.s32 $0xFFFFF800  }
0x6d: {  	[spmem:s5] =	stream.linear.scatter [tilespmem:s23], [sflag:$0x7], $0x4000, $0x38;
	[tilespmem:$0x1E400] =	vst v63  }
0x6e: {  	_ =	swait.ge [sflag:s31], $0x4000  }
0x6f: {  	[sflag:s31] =	ssyncset.done $0x0  }
0x70: {  	s14 =	simm.s32 $0x400;
	s12 =	sadd.s32 $0x3000, s13;
	[sflag:s31] =	ssyncadd.s32 $0xFFFFC000  }
0x71: {  	[tilespmem:s18], [sflag:$0x1] =	stream.indirect.gather [hbm4b:s1+s17], $0x80, s14, s17, $0xb8;
	[tilespmem:$0x1E400] =	vst v63  }
0x72: {  	[hbm:s12], [sflag:s3] =	dma.local [spmem:s8], $0x800  }
0x73: {  	_ =	swait.ge [sflag:s0], $0x4000  }
0x74: {  	[sflag:s0] =	ssyncset.done $0x0  }
0x75: {  	[sflag:s0] =	ssyncadd.s32 $0xFFFFC000  }
0x76: {  	_ =	swait.ge [sflag:s22], $0x800  }
0x77: {  	[sflag:s22] =	ssyncset.done $0x0  }
0x78: {  	[sflag:s22] =	ssyncadd.s32 $0xFFFFF800  }
0x79: {  	[spmem:s7] =	stream.linear.scatter [tilespmem:s28], [sflag:$0x8], $0x4000, $0x38;
	[tilespmem:$0x1E400] =	vst v63  }
0x7a: {  	_ =	swait.ge [sflag:s26], $0x4000  }
0x7b: {  	s11 =	simm.s32 $0x680;
	s15 =	simm.s32 $0x480;
	[sflag:s26] =	ssyncset.done $0x0  }
0x7c: {  	s13 =	sadd.s32 $0x3800, s13;
	s10 =	simm.s32 $0x2000;
	[sflag:s26] =	ssyncadd.s32 $0xFFFFC000  }
0x7d: {  	[tilespmem:s19], [sflag:$0x2] =	stream.indirect.gather [hbm4b:s1+s17], $0x80, s15, s17, $0xb8;
	[tilespmem:$0x1E400] =	vst v63  }
.LBB2_2:
0x7e: {  	[hbm:s13], [sflag:s4] =	dma.local [spmem:s9], $0x800  }
0x7f: {  	_ =	swait.ge [sflag:s20], $0x4000  }
0x80: {  	[sflag:s20] =	ssyncset.done $0x0  }
0x81: {  	[sflag:s20] =	ssyncadd.s32 $0xFFFFC000  }
0x82: {  	_ =	swait.ge [sflag:s30], $0x800  }
0x83: {  	[sflag:s30] =	ssyncset.done $0x0  }
0x84: {  	[sflag:s30] =	ssyncadd.s32 $0xFFFFF800  }
0x85: {  	[spmem:s5] =	stream.linear.scatter [tilespmem:s18], [sflag:$0x5], $0x4000, $0x38;
	[tilespmem:$0x1E400] =	vst v63  }
0x86: {  	_ =	swait.ge [sflag:s21], $0x4000  }
0x87: {  	s13 =	smov.u32 s10;
	[sflag:s21] =	ssyncset.done $0x0;
	s14 =	rddreg [dreg:$0x5]  }
0x88: {  	s15 =	sadd.s32 $0xFFFFFE80, s11;
	[sflag:s21] =	ssyncadd.s32 $0xFFFFC000;
	s14 =	sadd.s32 s13, s14  }
0x89: {  	[tilespmem:s23], [sflag:$0x3] =	stream.indirect.gather [hbm4b:s1+s17], $0x80, s15, s17, $0xb8;
	[tilespmem:$0x1E400] =	vst v63  }
0x8a: {  	[hbm:s14], [sflag:s3] =	dma.local [spmem:s8], $0x800  }
0x8b: {  	_ =	swait.ge [sflag:s24], $0x4000  }
0x8c: {  	[sflag:s24] =	ssyncset.done $0x0  }
0x8d: {  	[sflag:s24] =	ssyncadd.s32 $0xFFFFC000  }
0x8e: {  	_ =	swait.ge [sflag:s22], $0x800  }
0x8f: {  	[sflag:s22] =	ssyncset.done $0x0  }
0x90: {  	[sflag:s22] =	ssyncadd.s32 $0xFFFFF800  }
0x91: {  	[spmem:s7] =	stream.linear.scatter [tilespmem:s19], [sflag:$0x6], $0x4000, $0x38;
	[tilespmem:$0x1E400] =	vst v63  }
0x92: {  	_ =	swait.ge [sflag:s25], $0x4000  }
0x93: {  	[sflag:s25] =	ssyncset.done $0x0;
	s14 =	rddreg [dreg:$0x6]  }
0x94: {  	s15 =	sadd.s32 $0xFFFFFF00, s11;
	[sflag:s25] =	ssyncadd.s32 $0xFFFFC000;
	s13 =	sadd.s32 s13, s14  }
0x95: {  	[tilespmem:s28], [sflag:$0x4] =	stream.indirect.gather [hbm4b:s1+s17], $0x80, s15, s17, $0xb8;
	[tilespmem:$0x1E400] =	vst v63  }
0x96: {  	s14 =	sadd.s32 $0x2800, s13  }
0x97: {  	[hbm:s14], [sflag:s4] =	dma.local [spmem:s9], $0x800  }
0x98: {  	_ =	swait.ge [sflag:s29], $0x4000  }
0x99: {  	[sflag:s29] =	ssyncset.done $0x0  }
0x9a: {  	[sflag:s29] =	ssyncadd.s32 $0xFFFFC000  }
0x9b: {  	_ =	swait.ge [sflag:s30], $0x800  }
0x9c: {  	[sflag:s30] =	ssyncset.done $0x0  }
0x9d: {  	[sflag:s30] =	ssyncadd.s32 $0xFFFFF800  }
0x9e: {  	[spmem:s5] =	stream.linear.scatter [tilespmem:s23], [sflag:$0x7], $0x4000, $0x38;
	[tilespmem:$0x1E400] =	vst v63  }
0x9f: {  	_ =	swait.ge [sflag:s31], $0x4000  }
0xa0: {  	[sflag:s31] =	ssyncset.done $0x0  }
0xa1: {  	s15 =	sadd.s32 $0x3000, s13;
	s14 =	sadd.s32 $0xFFFFFF80, s11;
	[sflag:s31] =	ssyncadd.s32 $0xFFFFC000  }
0xa2: {  	[tilespmem:s18], [sflag:$0x1] =	stream.indirect.gather [hbm4b:s1+s17], $0x80, s14, s17, $0xb8;
	[tilespmem:$0x1E400] =	vst v63  }
0xa3: {  	[hbm:s15], [sflag:s3] =	dma.local [spmem:s8], $0x800  }
0xa4: {  	_ =	swait.ge [sflag:s0], $0x4000  }
0xa5: {  	[sflag:s0] =	ssyncset.done $0x0  }
0xa6: {  	[sflag:s0] =	ssyncadd.s32 $0xFFFFC000  }
0xa7: {  	_ =	swait.ge [sflag:s22], $0x800  }
0xa8: {  	[sflag:s22] =	ssyncset.done $0x0  }
0xa9: {  	p0 =	sne.s32 s10, $0x5E000;
	[sflag:s22] =	ssyncadd.s32 $0xFFFFF800  }
0xaa: {  	[spmem:s7] =	stream.linear.scatter [tilespmem:s28], [sflag:$0x8], $0x4000, $0x38;
	[tilespmem:$0x1E400] =	vst v63  }
.Ltmp0:
0xab: {  	_ = 	snop;
	(pc) =	sbr.rel @p0 .LBB2_2-.Ltmp0, $4  }
0xac: {  	_ =	swait.ge [sflag:s26], $0x4000  }
0xad: {  	s10 =	sadd.s32 $0x2000, s10;
	s12 =	smov.u32 s11;
	[sflag:s26] =	ssyncset.done $0x0  }
0xae: {  	s13 =	sadd.s32 $0x3800, s13;
	s11 =	sadd.s32 $0x200, s11;
	[sflag:s26] =	ssyncadd.s32 $0xFFFFC000  }
0xaf: {  	[tilespmem:s19], [sflag:$0x2] =	stream.indirect.gather [hbm4b:s1+s17], $0x80, s12, s17, $0xb8;
	[tilespmem:$0x1E400] =	vst v63  }
0xb0: {  	[hbm:s13], [sflag:s4] =	dma.local [spmem:s9], $0x800  }
0xb1: {  	_ =	swait.ge [sflag:s20], $0x4000  }
0xb2: {  	[sflag:s20] =	ssyncset.done $0x0  }
0xb3: {  	[sflag:s20] =	ssyncadd.s32 $0xFFFFC000  }
0xb4: {  	_ =	swait.ge [sflag:s30], $0x800  }
0xb5: {  	[sflag:s30] =	ssyncset.done $0x0  }
0xb6: {  	[sflag:s30] =	ssyncadd.s32 $0xFFFFF800  }
0xb7: {  	[spmem:s5] =	stream.linear.scatter [tilespmem:s18], [sflag:$0x5], $0x4000, $0x38;
	[tilespmem:$0x1E400] =	vst v63  }
0xb8: {  	_ =	swait.ge [sflag:s21], $0x4000  }
0xb9: {  	[sflag:s21] =	ssyncset.done $0x0  }
0xba: {  	s10 =	simm.s32 $0x6300;
	s15 =	rddreg [dreg:$0xb];
	[sflag:s21] =	ssyncadd.s32 $0xFFFFC000  }
0xbb: {  	[tilespmem:s23], [sflag:$0x3] =	stream.indirect.gather [hbm4b:s1+s17], $0x80, s10, s17, $0xb8;
	[tilespmem:$0x1E400] =	vst v63  }
0xbc: {  	[hbm:s15], [sflag:s3] =	dma.local [spmem:s8], $0x800  }
0xbd: {  	_ =	swait.ge [sflag:s24], $0x4000  }
0xbe: {  	[sflag:s24] =	ssyncset.done $0x0  }
0xbf: {  	[sflag:s24] =	ssyncadd.s32 $0xFFFFC000  }
0xc0: {  	_ =	swait.ge [sflag:s22], $0x800  }
0xc1: {  	[sflag:s22] =	ssyncset.done $0x0  }
0xc2: {  	[sflag:s22] =	ssyncadd.s32 $0xFFFFF800  }
0xc3: {  	[spmem:s7] =	stream.linear.scatter [tilespmem:s19], [sflag:$0x6], $0x4000, $0x38;
	[tilespmem:$0x1E400] =	vst v63  }
0xc4: {  	_ =	swait.ge [sflag:s25], $0x4000  }
0xc5: {  	[sflag:s25] =	ssyncset.done $0x0  }
0xc6: {  	s11 =	simm.s32 $0x6380;
	s12 =	rddreg [dreg:$0xc];
	[sflag:s25] =	ssyncadd.s32 $0xFFFFC000  }
0xc7: {  	[tilespmem:s28], [sflag:$0x4] =	stream.indirect.gather [hbm4b:s1+s17], $0x80, s11, s17, $0xb8;
	[tilespmem:$0x1E400] =	vst v63  }
0xc8: {  	[hbm:s12], [sflag:s4] =	dma.local [spmem:s9], $0x800  }
0xc9: {  	_ =	swait.ge [sflag:s29], $0x4000  }
0xca: {  	[sflag:s29] =	ssyncset.done $0x0  }
0xcb: {  	[sflag:s29] =	ssyncadd.s32 $0xFFFFC000  }
0xcc: {  	_ =	swait.ge [sflag:s30], $0x800  }
0xcd: {  	[sflag:s30] =	ssyncset.done $0x0  }
0xce: {  	[sflag:s30] =	ssyncadd.s32 $0xFFFFF800  }
0xcf: {  	[spmem:s5] =	stream.linear.scatter [tilespmem:s23], [sflag:$0x7], $0x4000, $0x38;
	[tilespmem:$0x1E400] =	vst v63  }
0xd0: {  	_ =	swait.ge [sflag:s31], $0x4000  }
0xd1: {  	[sflag:s31] =	ssyncset.done $0x0  }
0xd2: {  	s13 =	rddreg [dreg:$0xd];
	[sflag:s31] =	ssyncadd.s32 $0xFFFFC000  }
0xd3: {  	[hbm:s13], [sflag:s3] =	dma.local [spmem:s8], $0x800  }
0xd4: {  	_ =	swait.ge [sflag:s0], $0x4000  }
0xd5: {  	[sflag:s0] =	ssyncset.done $0x0  }
0xd6: {  	[sflag:s0] =	ssyncadd.s32 $0xFFFFC000  }
0xd7: {  	_ =	swait.ge [sflag:s22], $0x800  }
0xd8: {  	[sflag:s22] =	ssyncset.done $0x0  }
0xd9: {  	[sflag:s22] =	ssyncadd.s32 $0xFFFFF800  }
0xda: {  	[spmem:s7] =	stream.linear.scatter [tilespmem:s28], [sflag:$0x8], $0x4000, $0x38;
	[tilespmem:$0x1E400] =	vst v63  }
0xdb: {  	_ =	swait.ge [sflag:s26], $0x4000  }
0xdc: {  	[sflag:s26] =	ssyncset.done $0x0  }
0xdd: {  	s14 =	rddreg [dreg:$0xe];
	[sflag:s26] =	ssyncadd.s32 $0xFFFFC000  }
0xde: {  	[hbm:s14], [sflag:s4] =	dma.local [spmem:s9], $0x800  }
0xdf: {  	_ =	swait.ge [sflag:s30], $0x800  }
0xe0: {  	[sflag:s30] =	ssyncset.done $0x0  }
0xe1: {  	[sflag:s30] =	ssyncadd.s32 $0xFFFFF800  }
0xe2: {  	_ =	swait.ge [sflag:s22], $0x800  }
0xe3: {  	s2 =	sadd.s32 $0x1, s2;
	s15 =	rddreg [dreg:$0xf]  }
0xe4: {  	p0 =	sne.s32 s2, s15  }
.Ltmp1:
0xe5: {  	_ = 	snop;
	(pc) =	sbr.rel @p0 .LBB2_1-.Ltmp1, $3  }
0xe6: {  	_ =	sdelay $0x1  }
0xe7: {  	[sflag:s22] =	ssyncset.done $0x0  }
0xe8: {  	[sflag:s22] =	ssyncadd.s32 $0xFFFFF800  }
0xe9: {  	_ =	sfence.sel $0x180000  }
0xea: {  	[bflag:$0x0] =	sbarrier.arrive $0xFFFF  }
0xeb: {  	_ =	strace $0x90000047  }
0xec: {  	s0 =	stileid.u32;
	[bflag:$0x2] =	sbarrier.arrive $0xFFFF  }
0xed: {  	p0 =	sne.s32 s0, $0x0;
	s0 =	rddreg [dreg:$0x4]  }
0xee: {  	s0 =	sadd.s32 @!p0 $0x100000, s0  }
0xef: {  	[sflag:s0] =	ssyncadd.tile.s32 @!p0 $0x1;
	_ =	shalt  }
.Lfunc_end2:
_tile_overlayer_lowered:
.L_overlay_start_2:
0xf0: {  	(tag) =	ssettag $0x2  }
0xf1: {  	s0 =	rddreg [dreg:$0x0];
	s2 =	stileid.u32  }
0xf2: {  	s1 =	rddreg [dreg:$0x1];
	p0 =	sne.s32 s2, $0x0  }
0xf3: {  	s3 =	rddreg [dreg:$0x2];
	[bflag:$0x3] =	sbarrier.arrive $0xFFFF;
	s2 =	simm.s32 @!p0 $0x1C0B  }
0xf4: {  	[timem:s3], [sflag:s2] =	dma.local @!p0 [hbm:s0], s1  }
0xf5: {  	s0 =	simm.s32 @!p0 $0xB  }
0xf6: {  	_ =	swait.ge @!p0 [sflag:s0], s1  }
0xf7: {  	s1 =	ssub.s32 @!p0 $0x0, s1;
	[sflag:s0] =	ssyncset.done @!p0 $0x0  }
0xf8: {  	[sflag:s0] =	ssyncadd.s32 @!p0 s1  }
0xf9: {  	[bflag:$0x3] =	sbarrier.arrive $0xFFFF  }
0xfa: {  	_ =	shalt  }

</sc_bundles>
